<compile_context>
chip_gen: v7x
topology: tpu7x:2x2x1
jax: 0.10.2.dev20260603
libtpu: 0.0.44.dev20260713+nightly
codegen_flags: <defaults>
</compile_context>

<pallas_src>
import jax
import jax.numpy as jnp
from jax import lax
from jax.experimental import pallas as pl
from jax.experimental.pallas import tpu as pltpu
from jax.experimental.pallas import tpu_sc as plsc

VOCAB = 100000
EMBED = 64
BATCH = 16384

NUM_CORES = 2
NUM_SUBCORES = 16
LANES = 16
B_PER_CORE = BATCH // NUM_CORES
D_PER_SUB = EMBED // NUM_SUBCORES
GROUPS = B_PER_CORE // LANES
ACC_ROWS = B_PER_CORE // 128
STRIPE_ROWS = ACC_ROWS // NUM_SUBCORES


def _body(target_hbm, context_hbm, wt_hbm, out_hbm,
          t_idx, c_idx, rowbuf, acc, idxbuf, shared, sem):
    c = lax.axis_index("c")
    s = lax.axis_index("s")
    base = c * B_PER_CORE

    cps = [
        pltpu.async_copy(target_hbm.at[pl.ds(base, B_PER_CORE)], t_idx, sem),
        pltpu.async_copy(context_hbm.at[pl.ds(base, B_PER_CORE)], c_idx, sem),
        pltpu.async_copy(
            wt_hbm.at[s * D_PER_SUB + (s % D_PER_SUB)], rowbuf, sem),
    ]

    for k in range(ACC_ROWS // LANES):
        idxbuf[pl.ds(k * LANES, LANES)] = (
            lax.iota(jnp.int32, LANES) + k * LANES)

    for cp in cps:
        cp.wait()

    for dd in range(D_PER_SUB):
        d = s * D_PER_SUB + lax.rem(dd + s, D_PER_SUB)
        if dd > 0:
            pltpu.sync_copy(wt_hbm.at[d], rowbuf)

        first = dd == 0

        @plsc.parallel_loop(0, GROUPS // 8, unroll=2)
        def _(k):
            for j in range(8):
                sl = pl.ds((k * 8 + j) * LANES, LANES)
                tv = t_idx[sl]
                cv = c_idx[sl]
                tg = plsc.load_gather(rowbuf, [tv])
                cg = plsc.load_gather(rowbuf, [cv])
                prod = tg * cg
                if first:
                    acc[k, pl.ds(j * LANES, LANES)] = prod
                else:
                    plsc.addupdate(acc.at[k, pl.ds(j * LANES, LANES)], prod)

    @pl.when(s == 0)
    def _():
        pltpu.sync_copy(acc, shared)

    plsc.subcore_barrier()

    @pl.when(s != 0)
    def _():
        cp = pltpu.make_async_copy(acc, shared.at[idxbuf], sem)
        cp.start(add=True)
        cp.wait()

    plsc.subcore_barrier()

    rsl = pl.ds(s * STRIPE_ROWS, STRIPE_ROWS)
    osl = pl.ds(c * ACC_ROWS + s * STRIPE_ROWS, STRIPE_ROWS)
    pltpu.sync_copy(shared.at[rsl], out_hbm.at[osl])


@jax.jit
def kernel(target, context, word_embeddings):
    wt = word_embeddings.T
    mesh = plsc.VectorSubcoreMesh(core_axis_name="c", subcore_axis_name="s")
    run = pl.kernel(
        _body,
        out_type=jax.ShapeDtypeStruct((BATCH // 128, 128), jnp.float32),
        mesh=mesh,
        scratch_types=[
            pltpu.VMEM((B_PER_CORE,), jnp.int32),
            pltpu.VMEM((B_PER_CORE,), jnp.int32),
            pltpu.VMEM((VOCAB,), jnp.float32),
            pltpu.VMEM((ACC_ROWS, 128), jnp.float32),
            pltpu.VMEM((ACC_ROWS,), jnp.int32),
            pltpu.VMEM_SHARED((ACC_ROWS, 128), jnp.float32),
            pltpu.SemaphoreType.DMA,
        ],
        compiler_params=pltpu.CompilerParams(
            needs_layout_passes=False, use_tc_tiling_on_sc=True),
    )
    out = run(target, context, wt)
    return jnp.reshape(out, (BATCH,))

# --- scband reference (transcript-rebuilt; emitter-appended) ---
"""Pipeline reference for scband-word2-vec-16999480558048 (READ-ONLY COPY).

The authoritative reference and input builder live on the scoring server;
editing this copy changes nothing except your own understanding.
"""

import jax, jax.numpy as jnp
import numpy as np

VOCAB = 100000
EMBED = 64
BATCH = 16384

def setup_inputs(seed: int = 0) -> dict:
    key = jax.random.key(seed)
    k1, k2, k3 = jax.random.split(key, 3)
    target = jax.random.randint(k1, (BATCH,), 0, VOCAB, dtype=jnp.int64 if jax.config.jax_enable_x64 else jnp.int32).astype(jnp.int32)
    context = jax.random.randint(k2, (BATCH,), 0, VOCAB, dtype=jnp.int64 if jax.config.jax_enable_x64 else jnp.int32).astype(jnp.int32)
    word_embeddings = jax.random.normal(k3, (VOCAB, EMBED), dtype=jnp.float32)
    return {"target": target, "context": context, "word_embeddings": word_embeddings}

def reference(target, context, word_embeddings):
    # Word2Vec (skip-gram style, shared embedding table):
    # embed target and context words, score = dot product per pair.
    tgt_emb = jnp.take(word_embeddings, target, axis=0)      # [B, D] gather
    ctx_emb = jnp.take(word_embeddings, context, axis=0)     # [B, D] gather
    scores = jnp.sum(tgt_emb * ctx_emb, axis=-1)             # [B]
    return scores

if __name__ == "__main__":
    import jax
    _d = setup_inputs()
    print(jax.jit(kernel)(*tuple(_d.values())))

</pallas_src>

<mosaic_0001>
#map = affine_map<(d0, d1) -> (0)>
#map1 = affine_map<(d0, d1) -> (0, 0)>
module attributes {stable_mosaic.version = 14 : i64} {
  func.func @_body(%arg0: i32, %arg1: i32, %arg2: memref<16384xi32, #tpu.memory_space<hbm>>, %arg3: memref<16384xi32, #tpu.memory_space<hbm>>, %arg4: memref<64x100000xf32, #tpu.memory_space<hbm>>, %arg5: memref<128x128xf32, #tpu.memory_space<hbm>>, %arg6: memref<8192xi32, #tpu.memory_space<vmem>>, %arg7: memref<8192xi32, #tpu.memory_space<vmem>>, %arg8: memref<100000xf32, #tpu.memory_space<vmem>>, %arg9: memref<64x128xf32, #tpu.memory_space<vmem>>, %arg10: memref<64xi32, #tpu.memory_space<vmem>>, %arg11: memref<64x128xf32, #tpu.memory_space<vmem_shared>>, %arg12: memref<!tpu.dma_semaphore, #tpu.memory_space<semaphore_mem>>) attributes {dimension_semantics = [#tpu.dimension_semantics<core_parallel>, #tpu.dimension_semantics<subcore_parallel>], iteration_bounds = array<i64: 2, 16>, scalar_prefetch = 0 : i64, scratch_operands = 7 : i64, tpu.core_type = #tpu.core_type<sc_vector_subcore>, window_params = [{transform_indices = #map}, {transform_indices = #map}, {transform_indices = #map1}, {transform_indices = #map1}]} {
    %mul3A = arith.constant 8192 : i32
    %mul3A_0 = arith.muli %arg0, %mul3A : i32
    %dma_start3A = tpu.memref_slice %arg2[%mul3A_0] : memref<16384xi32, #tpu.memory_space<hbm>> -> memref<8192xi32, #tpu.memory_space<hbm>>
    %dma_start3A_1 = tpu.memref_slice %arg2[%mul3A_0] : memref<16384xi32, #tpu.memory_space<hbm>> -> memref<8192xi32, #tpu.memory_space<hbm>>
    tpu.enqueue_dma source(%dma_start3A_1 : memref<8192xi32, #tpu.memory_space<hbm>>) target(%arg6 : memref<8192xi32, #tpu.memory_space<vmem>>) target_semaphore(%arg12 : memref<!tpu.dma_semaphore, #tpu.memory_space<semaphore_mem>>)
    %dma_start3A_2 = tpu.memref_slice %arg3[%mul3A_0] : memref<16384xi32, #tpu.memory_space<hbm>> -> memref<8192xi32, #tpu.memory_space<hbm>>
    %dma_start3A_3 = tpu.memref_slice %arg3[%mul3A_0] : memref<16384xi32, #tpu.memory_space<hbm>> -> memref<8192xi32, #tpu.memory_space<hbm>>
    tpu.enqueue_dma source(%dma_start3A_3 : memref<8192xi32, #tpu.memory_space<hbm>>) target(%arg7 : memref<8192xi32, #tpu.memory_space<vmem>>) target_semaphore(%arg12 : memref<!tpu.dma_semaphore, #tpu.memory_space<semaphore_mem>>)
    %mul3A_4 = arith.constant 4 : i32
    %mul3A_5 = arith.muli %arg1, %mul3A_4 : i32
    %jit3A = arith.constant 4 : i32
    %eq3A = arith.constant 0 : i32
    %eq3A_6 = arith.cmpi eq, %jit3A, %eq3A : i32
    %jit3A_7 = arith.constant 1 : i32
    %select_n3A = arith.select %eq3A_6, %jit3A_7, %jit3A : i32
    %rem3A = arith.remsi %arg1, %select_n3A : i32
    %ne3A = arith.constant 0 : i32
    %ne3A_8 = arith.cmpi ne, %rem3A, %ne3A : i32
    %lt3A = arith.constant 0 : i32
    %lt3A_9 = arith.cmpi slt, %rem3A, %lt3A : i32
    %lt3A_10 = arith.constant 0 : i32
    %lt3A_11 = arith.cmpi slt, %select_n3A, %lt3A_10 : i32
    %ne3A_12 = arith.xori %lt3A_9, %lt3A_11 : i1
    %and3A = arith.andi %ne3A_12, %ne3A_8 : i1
    %add3A = arith.addi %rem3A, %select_n3A : i32
    %select_n3A_13 = arith.select %and3A, %add3A, %rem3A : i32
    %add3A_14 = arith.addi %mul3A_5, %select_n3A_13 : i32
    %dma_start3A_15 = arith.constant 0 : i32
    %dma_start3A_16 = tpu.memref_slice %arg4[%add3A_14, %dma_start3A_15] : memref<64x100000xf32, #tpu.memory_space<hbm>> -> memref<1x100000xf32, #tpu.memory_space<hbm>>
    %dma_start3A_17 = tpu.memref_squeeze %dma_start3A_16 : memref<1x100000xf32, #tpu.memory_space<hbm>> -> memref<100000xf32, #tpu.memory_space<hbm>>
    %dma_start3A_18 = arith.constant 0 : i32
    %dma_start3A_19 = tpu.memref_slice %arg4[%add3A_14, %dma_start3A_18] : memref<64x100000xf32, #tpu.memory_space<hbm>> -> memref<1x100000xf32, #tpu.memory_space<hbm>>
    %dma_start3A_20 = tpu.memref_squeeze %dma_start3A_19 : memref<1x100000xf32, #tpu.memory_space<hbm>> -> memref<100000xf32, #tpu.memory_space<hbm>>
    tpu.enqueue_dma source(%dma_start3A_20 : memref<100000xf32, #tpu.memory_space<hbm>>) target(%arg8 : memref<100000xf32, #tpu.memory_space<vmem>>) target_semaphore(%arg12 : memref<!tpu.dma_semaphore, #tpu.memory_space<semaphore_mem>>)
    %iota3A = tpu.iota {dimensions = array<i32: 0>} : vector<16xi32>
    %add3A_21 = arith.constant 0 : i32
    %add3A_22 = vector.broadcast %add3A_21 : i32 to vector<16xi32>
    %add3A_23 = arith.addi %iota3A, %add3A_22 : vector<16xi32>
    %swap3A = arith.constant 0 : index
    %swap3A_24 = tpu.vector_load %arg10[%swap3A] {strides = array<i32>} : memref<64xi32, #tpu.memory_space<vmem>>, vector<16xi32>,
    tpu.vector_store %arg10[%swap3A], %add3A_23 {strides = array<i32>} : memref<64xi32, #tpu.memory_space<vmem>>, vector<16xi32>,
    %iota3A_25 = tpu.iota {dimensions = array<i32: 0>} : vector<16xi32>
    %add3A_26 = arith.constant 16 : i32
    %add3A_27 = vector.broadcast %add3A_26 : i32 to vector<16xi32>
    %add3A_28 = arith.addi %iota3A_25, %add3A_27 : vector<16xi32>
    %swap3A_29 = arith.constant 16 : index
    %swap3A_30 = tpu.vector_load %arg10[%swap3A_29] {strides = array<i32>} : memref<64xi32, #tpu.memory_space<vmem>>, vector<16xi32>,
    tpu.vector_store %arg10[%swap3A_29], %add3A_28 {strides = array<i32>} : memref<64xi32, #tpu.memory_space<vmem>>, vector<16xi32>,
    %iota3A_31 = tpu.iota {dimensions = array<i32: 0>} : vector<16xi32>
    %add3A_32 = arith.constant 32 : i32
    %add3A_33 = vector.broadcast %add3A_32 : i32 to vector<16xi32>
    %add3A_34 = arith.addi %iota3A_31, %add3A_33 : vector<16xi32>
    %swap3A_35 = arith.constant 32 : index
    %swap3A_36 = tpu.vector_load %arg10[%swap3A_35] {strides = array<i32>} : memref<64xi32, #tpu.memory_space<vmem>>, vector<16xi32>,
    tpu.vector_store %arg10[%swap3A_35], %add3A_34 {strides = array<i32>} : memref<64xi32, #tpu.memory_space<vmem>>, vector<16xi32>,
    %iota3A_37 = tpu.iota {dimensions = array<i32: 0>} : vector<16xi32>
    %add3A_38 = arith.constant 48 : i32
    %add3A_39 = vector.broadcast %add3A_38 : i32 to vector<16xi32>
    %add3A_40 = arith.addi %iota3A_37, %add3A_39 : vector<16xi32>
    %swap3A_41 = arith.constant 48 : index
    %swap3A_42 = tpu.vector_load %arg10[%swap3A_41] {strides = array<i32>} : memref<64xi32, #tpu.memory_space<vmem>>, vector<16xi32>,
    tpu.vector_store %arg10[%swap3A_41], %add3A_40 {strides = array<i32>} : memref<64xi32, #tpu.memory_space<vmem>>, vector<16xi32>,
    %dma_wait3A = tpu.memref_slice %arg2[%mul3A_0] : memref<16384xi32, #tpu.memory_space<hbm>> -> memref<8192xi32, #tpu.memory_space<hbm>>
    %dma_wait3A_43 = tpu.memref_slice %arg2[%mul3A_0] : memref<16384xi32, #tpu.memory_space<hbm>> -> memref<8192xi32, #tpu.memory_space<hbm>>
    tpu.wait_dma2 semaphore(%arg12 : memref<!tpu.dma_semaphore, #tpu.memory_space<semaphore_mem>>) src(%dma_wait3A_43 : memref<8192xi32, #tpu.memory_space<hbm>>) dst(%arg6 : memref<8192xi32, #tpu.memory_space<vmem>>)
    %dma_wait3A_44 = tpu.memref_slice %arg3[%mul3A_0] : memref<16384xi32, #tpu.memory_space<hbm>> -> memref<8192xi32, #tpu.memory_space<hbm>>
    %dma_wait3A_45 = tpu.memref_slice %arg3[%mul3A_0] : memref<16384xi32, #tpu.memory_space<hbm>> -> memref<8192xi32, #tpu.memory_space<hbm>>
    tpu.wait_dma2 semaphore(%arg12 : memref<!tpu.dma_semaphore, #tpu.memory_space<semaphore_mem>>) src(%dma_wait3A_45 : memref<8192xi32, #tpu.memory_space<hbm>>) dst(%arg7 : memref<8192xi32, #tpu.memory_space<vmem>>)
    %dma_wait3A_46 = arith.constant 0 : i32
    %dma_wait3A_47 = tpu.memref_slice %arg4[%add3A_14, %dma_wait3A_46] : memref<64x100000xf32, #tpu.memory_space<hbm>> -> memref<1x100000xf32, #tpu.memory_space<hbm>>
    %dma_wait3A_48 = tpu.memref_squeeze %dma_wait3A_47 : memref<1x100000xf32, #tpu.memory_space<hbm>> -> memref<100000xf32, #tpu.memory_space<hbm>>
    %dma_wait3A_49 = arith.constant 0 : i32
    %dma_wait3A_50 = tpu.memref_slice %arg4[%add3A_14, %dma_wait3A_49] : memref<64x100000xf32, #tpu.memory_space<hbm>> -> memref<1x100000xf32, #tpu.memory_space<hbm>>
    %dma_wait3A_51 = tpu.memref_squeeze %dma_wait3A_50 : memref<1x100000xf32, #tpu.memory_space<hbm>> -> memref<100000xf32, #tpu.memory_space<hbm>>
    tpu.wait_dma2 semaphore(%arg12 : memref<!tpu.dma_semaphore, #tpu.memory_space<semaphore_mem>>) src(%dma_wait3A_51 : memref<100000xf32, #tpu.memory_space<hbm>>) dst(%arg8 : memref<100000xf32, #tpu.memory_space<vmem>>)
    %mul3A_52 = arith.constant 4 : i32
    %mul3A_53 = arith.muli %arg1, %mul3A_52 : i32
    %add3A_54 = arith.constant 0 : i32
    %add3A_55 = arith.addi %add3A_54, %arg1 : i32
    %rem3A_56 = arith.constant 4 : i32
    %rem3A_57 = arith.remsi %add3A_55, %rem3A_56 : i32
    %add3A_58 = arith.addi %mul3A_53, %rem3A_57 : i32
    %parallel_loop3A = arith.constant 0 : i32
    %parallel_loop3A_59 = arith.constant 64 : i32
    %parallel_loop3A_60 = arith.constant 1 : i32
    scf.for %parallel_loop3A_107 = %parallel_loop3A to %parallel_loop3A_59 step %parallel_loop3A_60  : i32 {
      %parallel_loop3A_108 = arith.constant 8 : i32
      %parallel_loop3A_109 = arith.muli %parallel_loop3A_107, %parallel_loop3A_108 : i32
      %parallel_loop3A_110 = arith.constant 0 : i32
      %parallel_loop3A_111 = arith.addi %parallel_loop3A_109, %parallel_loop3A_110 : i32
      %parallel_loop3A_112 = arith.constant 16 : i32
      %parallel_loop3A_113 = arith.muli %parallel_loop3A_111, %parallel_loop3A_112 : i32
      %parallel_loop3A_114 = arith.index_cast %parallel_loop3A_113 : i32 to index
      %parallel_loop3A_115 = tpu.vector_load %arg6[%parallel_loop3A_114] {strides = array<i32>} : memref<8192xi32, #tpu.memory_space<vmem>>, vector<16xi32>,
      %parallel_loop3A_116 = arith.index_cast %parallel_loop3A_113 : i32 to index
      %parallel_loop3A_117 = tpu.vector_load %arg7[%parallel_loop3A_116] {strides = array<i32>} : memref<8192xi32, #tpu.memory_space<vmem>>, vector<16xi32>,
      %parallel_loop3A_118 = tpu.vector_load_idx %arg8[%parallel_loop3A_115] : memref<100000xf32, #tpu.memory_space<vmem>>[vector<16xi32>], vector<16xf32>,
      %parallel_loop3A_119 = tpu.vector_load_idx %arg8[%parallel_loop3A_117] : memref<100000xf32, #tpu.memory_space<vmem>>[vector<16xi32>], vector<16xf32>,
      %parallel_loop3A_120 = arith.mulf %parallel_loop3A_118, %parallel_loop3A_119 : vector<16xf32>
      %parallel_loop3A_121 = arith.index_cast %parallel_loop3A_107 : i32 to index
      %parallel_loop3A_122 = arith.constant 0 : index
      %parallel_loop3A_123 = tpu.vector_load %arg9[%parallel_loop3A_121, %parallel_loop3A_122] {strides = array<i32>} : memref<64x128xf32, #tpu.memory_space<vmem>>, vector<16xf32>,
      tpu.vector_store %arg9[%parallel_loop3A_121, %parallel_loop3A_122], %parallel_loop3A_120 {strides = array<i32>} : memref<64x128xf32, #tpu.memory_space<vmem>>, vector<16xf32>,
      %parallel_loop3A_124 = arith.constant 8 : i32
      %parallel_loop3A_125 = arith.muli %parallel_loop3A_107, %parallel_loop3A_124 : i32
      %parallel_loop3A_126 = arith.constant 1 : i32
      %parallel_loop3A_127 = arith.addi %parallel_loop3A_125, %parallel_loop3A_126 : i32
      %parallel_loop3A_128 = arith.constant 16 : i32
      %parallel_loop3A_129 = arith.muli %parallel_loop3A_127, %parallel_loop3A_128 : i32
      %parallel_loop3A_130 = arith.index_cast %parallel_loop3A_129 : i32 to index
      %parallel_loop3A_131 = tpu.vector_load %arg6[%parallel_loop3A_130] {strides = array<i32>} : memref<8192xi32, #tpu.memory_space<vmem>>, vector<16xi32>,
      %parallel_loop3A_132 = arith.index_cast %parallel_loop3A_129 : i32 to index
      %parallel_loop3A_133 = tpu.vector_load %arg7[%parallel_loop3A_132] {strides = array<i32>} : memref<8192xi32, #tpu.memory_space<vmem>>, vector<16xi32>,
      %parallel_loop3A_134 = tpu.vector_load_idx %arg8[%parallel_loop3A_131] : memref<100000xf32, #tpu.memory_space<vmem>>[vector<16xi32>], vector<16xf32>,
      %parallel_loop3A_135 = tpu.vector_load_idx %arg8[%parallel_loop3A_133] : memref<100000xf32, #tpu.memory_space<vmem>>[vector<16xi32>], vector<16xf32>,
      %parallel_loop3A_136 = arith.mulf %parallel_loop3A_134, %parallel_loop3A_135 : vector<16xf32>
      %parallel_loop3A_137 = arith.index_cast %parallel_loop3A_107 : i32 to index
      %parallel_loop3A_138 = arith.constant 16 : index
      %parallel_loop3A_139 = tpu.vector_load %arg9[%parallel_loop3A_137, %parallel_loop3A_138] {strides = array<i32>} : memref<64x128xf32, #tpu.memory_space<vmem>>, vector<16xf32>,
      tpu.vector_store %arg9[%parallel_loop3A_137, %parallel_loop3A_138], %parallel_loop3A_136 {strides = array<i32>} : memref<64x128xf32, #tpu.memory_space<vmem>>, vector<16xf32>,
      %parallel_loop3A_140 = arith.constant 8 : i32
      %parallel_loop3A_141 = arith.muli %parallel_loop3A_107, %parallel_loop3A_140 : i32
      %parallel_loop3A_142 = arith.constant 2 : i32
      %parallel_loop3A_143 = arith.addi %parallel_loop3A_141, %parallel_loop3A_142 : i32
      %parallel_loop3A_144 = arith.constant 16 : i32
      %parallel_loop3A_145 = arith.muli %parallel_loop3A_143, %parallel_loop3A_144 : i32
      %parallel_loop3A_146 = arith.index_cast %parallel_loop3A_145 : i32 to index
      %parallel_loop3A_147 = tpu.vector_load %arg6[%parallel_loop3A_146] {strides = array<i32>} : memref<8192xi32, #tpu.memory_space<vmem>>, vector<16xi32>,
      %parallel_loop3A_148 = arith.index_cast %parallel_loop3A_145 : i32 to index
      %parallel_loop3A_149 = tpu.vector_load %arg7[%parallel_loop3A_148] {strides = array<i32>} : memref<8192xi32, #tpu.memory_space<vmem>>, vector<16xi32>,
      %parallel_loop3A_150 = tpu.vector_load_idx %arg8[%parallel_loop3A_147] : memref<100000xf32, #tpu.memory_space<vmem>>[vector<16xi32>], vector<16xf32>,
      %parallel_loop3A_151 = tpu.vector_load_idx %arg8[%parallel_loop3A_149] : memref<100000xf32, #tpu.memory_space<vmem>>[vector<16xi32>], vector<16xf32>,
      %parallel_loop3A_152 = arith.mulf %parallel_loop3A_150, %parallel_loop3A_151 : vector<16xf32>
      %parallel_loop3A_153 = arith.index_cast %parallel_loop3A_107 : i32 to index
      %parallel_loop3A_154 = arith.constant 32 : index
      %parallel_loop3A_155 = tpu.vector_load %arg9[%parallel_loop3A_153, %parallel_loop3A_154] {strides = array<i32>} : memref<64x128xf32, #tpu.memory_space<vmem>>, vector<16xf32>,
      tpu.vector_store %arg9[%parallel_loop3A_153, %parallel_loop3A_154], %parallel_loop3A_152 {strides = array<i32>} : memref<64x128xf32, #tpu.memory_space<vmem>>, vector<16xf32>,
      %parallel_loop3A_156 = arith.constant 8 : i32
      %parallel_loop3A_157 = arith.muli %parallel_loop3A_107, %parallel_loop3A_156 : i32
      %parallel_loop3A_158 = arith.constant 3 : i32
      %parallel_loop3A_159 = arith.addi %parallel_loop3A_157, %parallel_loop3A_158 : i32
      %parallel_loop3A_160 = arith.constant 16 : i32
      %parallel_loop3A_161 = arith.muli %parallel_loop3A_159, %parallel_loop3A_160 : i32
      %parallel_loop3A_162 = arith.index_cast %parallel_loop3A_161 : i32 to index
      %parallel_loop3A_163 = tpu.vector_load %arg6[%parallel_loop3A_162] {strides = array<i32>} : memref<8192xi32, #tpu.memory_space<vmem>>, vector<16xi32>,
      %parallel_loop3A_164 = arith.index_cast %parallel_loop3A_161 : i32 to index
      %parallel_loop3A_165 = tpu.vector_load %arg7[%parallel_loop3A_164] {strides = array<i32>} : memref<8192xi32, #tpu.memory_space<vmem>>, vector<16xi32>,
      %parallel_loop3A_166 = tpu.vector_load_idx %arg8[%parallel_loop3A_163] : memref<100000xf32, #tpu.memory_space<vmem>>[vector<16xi32>], vector<16xf32>,
      %parallel_loop3A_167 = tpu.vector_load_idx %arg8[%parallel_loop3A_165] : memref<100000xf32, #tpu.memory_space<vmem>>[vector<16xi32>], vector<16xf32>,
      %parallel_loop3A_168 = arith.mulf %parallel_loop3A_166, %parallel_loop3A_167 : vector<16xf32>
      %parallel_loop3A_169 = arith.index_cast %parallel_loop3A_107 : i32 to index
      %parallel_loop3A_170 = arith.constant 48 : index
      %parallel_loop3A_171 = tpu.vector_load %arg9[%parallel_loop3A_169, %parallel_loop3A_170] {strides = array<i32>} : memref<64x128xf32, #tpu.memory_space<vmem>>, vector<16xf32>,
      tpu.vector_store %arg9[%parallel_loop3A_169, %parallel_loop3A_170], %parallel_loop3A_168 {strides = array<i32>} : memref<64x128xf32, #tpu.memory_space<vmem>>, vector<16xf32>,
      %parallel_loop3A_172 = arith.constant 8 : i32
      %parallel_loop3A_173 = arith.muli %parallel_loop3A_107, %parallel_loop3A_172 : i32
      %parallel_loop3A_174 = arith.constant 4 : i32
      %parallel_loop3A_175 = arith.addi %parallel_loop3A_173, %parallel_loop3A_174 : i32
      %parallel_loop3A_176 = arith.constant 16 : i32
      %parallel_loop3A_177 = arith.muli %parallel_loop3A_175, %parallel_loop3A_176 : i32
      %parallel_loop3A_178 = arith.index_cast %parallel_loop3A_177 : i32 to index
      %parallel_loop3A_179 = tpu.vector_load %arg6[%parallel_loop3A_178] {strides = array<i32>} : memref<8192xi32, #tpu.memory_space<vmem>>, vector<16xi32>,
      %parallel_loop3A_180 = arith.index_cast %parallel_loop3A_177 : i32 to index
      %parallel_loop3A_181 = tpu.vector_load %arg7[%parallel_loop3A_180] {strides = array<i32>} : memref<8192xi32, #tpu.memory_space<vmem>>, vector<16xi32>,
      %parallel_loop3A_182 = tpu.vector_load_idx %arg8[%parallel_loop3A_179] : memref<100000xf32, #tpu.memory_space<vmem>>[vector<16xi32>], vector<16xf32>,
      %parallel_loop3A_183 = tpu.vector_load_idx %arg8[%parallel_loop3A_181] : memref<100000xf32, #tpu.memory_space<vmem>>[vector<16xi32>], vector<16xf32>,
      %parallel_loop3A_184 = arith.mulf %parallel_loop3A_182, %parallel_loop3A_183 : vector<16xf32>
      %parallel_loop3A_185 = arith.index_cast %parallel_loop3A_107 : i32 to index
      %parallel_loop3A_186 = arith.constant 64 : index
      %parallel_loop3A_187 = tpu.vector_load %arg9[%parallel_loop3A_185, %parallel_loop3A_186] {strides = array<i32>} : memref<64x128xf32, #tpu.memory_space<vmem>>, vector<16xf32>,
      tpu.vector_store %arg9[%parallel_loop3A_185, %parallel_loop3A_186], %parallel_loop3A_184 {strides = array<i32>} : memref<64x128xf32, #tpu.memory_space<vmem>>, vector<16xf32>,
      %parallel_loop3A_188 = arith.constant 8 : i32
      %parallel_loop3A_189 = arith.muli %parallel_loop3A_107, %parallel_loop3A_188 : i32
      %parallel_loop3A_190 = arith.constant 5 : i32
      %parallel_loop3A_191 = arith.addi %parallel_loop3A_189, %parallel_loop3A_190 : i32
      %parallel_loop3A_192 = arith.constant 16 : i32
      %parallel_loop3A_193 = arith.muli %parallel_loop3A_191, %parallel_loop3A_192 : i32
      %parallel_loop3A_194 = arith.index_cast %parallel_loop3A_193 : i32 to index
      %parallel_loop3A_195 = tpu.vector_load %arg6[%parallel_loop3A_194] {strides = array<i32>} : memref<8192xi32, #tpu.memory_space<vmem>>, vector<16xi32>,
      %parallel_loop3A_196 = arith.index_cast %parallel_loop3A_193 : i32 to index
      %parallel_loop3A_197 = tpu.vector_load %arg7[%parallel_loop3A_196] {strides = array<i32>} : memref<8192xi32, #tpu.memory_space<vmem>>, vector<16xi32>,
      %parallel_loop3A_198 = tpu.vector_load_idx %arg8[%parallel_loop3A_195] : memref<100000xf32, #tpu.memory_space<vmem>>[vector<16xi32>], vector<16xf32>,
      %parallel_loop3A_199 = tpu.vector_load_idx %arg8[%parallel_loop3A_197] : memref<100000xf32, #tpu.memory_space<vmem>>[vector<16xi32>], vector<16xf32>,
      %parallel_loop3A_200 = arith.mulf %parallel_loop3A_198, %parallel_loop3A_199 : vector<16xf32>
      %parallel_loop3A_201 = arith.index_cast %parallel_loop3A_107 : i32 to index
      %parallel_loop3A_202 = arith.constant 80 : index
      %parallel_loop3A_203 = tpu.vector_load %arg9[%parallel_loop3A_201, %parallel_loop3A_202] {strides = array<i32>} : memref<64x128xf32, #tpu.memory_space<vmem>>, vector<16xf32>,
      tpu.vector_store %arg9[%parallel_loop3A_201, %parallel_loop3A_202], %parallel_loop3A_200 {strides = array<i32>} : memref<64x128xf32, #tpu.memory_space<vmem>>, vector<16xf32>,
      %parallel_loop3A_204 = arith.constant 8 : i32
      %parallel_loop3A_205 = arith.muli %parallel_loop3A_107, %parallel_loop3A_204 : i32
      %parallel_loop3A_206 = arith.constant 6 : i32
      %parallel_loop3A_207 = arith.addi %parallel_loop3A_205, %parallel_loop3A_206 : i32
      %parallel_loop3A_208 = arith.constant 16 : i32
      %parallel_loop3A_209 = arith.muli %parallel_loop3A_207, %parallel_loop3A_208 : i32
      %parallel_loop3A_210 = arith.index_cast %parallel_loop3A_209 : i32 to index
      %parallel_loop3A_211 = tpu.vector_load %arg6[%parallel_loop3A_210] {strides = array<i32>} : memref<8192xi32, #tpu.memory_space<vmem>>, vector<16xi32>,
      %parallel_loop3A_212 = arith.index_cast %parallel_loop3A_209 : i32 to index
      %parallel_loop3A_213 = tpu.vector_load %arg7[%parallel_loop3A_212] {strides = array<i32>} : memref<8192xi32, #tpu.memory_space<vmem>>, vector<16xi32>,
      %parallel_loop3A_214 = tpu.vector_load_idx %arg8[%parallel_loop3A_211] : memref<100000xf32, #tpu.memory_space<vmem>>[vector<16xi32>], vector<16xf32>,
      %parallel_loop3A_215 = tpu.vector_load_idx %arg8[%parallel_loop3A_213] : memref<100000xf32, #tpu.memory_space<vmem>>[vector<16xi32>], vector<16xf32>,
      %parallel_loop3A_216 = arith.mulf %parallel_loop3A_214, %parallel_loop3A_215 : vector<16xf32>
      %parallel_loop3A_217 = arith.index_cast %parallel_loop3A_107 : i32 to index
      %parallel_loop3A_218 = arith.constant 96 : index
      %parallel_loop3A_219 = tpu.vector_load %arg9[%parallel_loop3A_217, %parallel_loop3A_218] {strides = array<i32>} : memref<64x128xf32, #tpu.memory_space<vmem>>, vector<16xf32>,
      tpu.vector_store %arg9[%parallel_loop3A_217, %parallel_loop3A_218], %parallel_loop3A_216 {strides = array<i32>} : memref<64x128xf32, #tpu.memory_space<vmem>>, vector<16xf32>,
      %parallel_loop3A_220 = arith.constant 8 : i32
      %parallel_loop3A_221 = arith.muli %parallel_loop3A_107, %parallel_loop3A_220 : i32
      %parallel_loop3A_222 = arith.constant 7 : i32
      %parallel_loop3A_223 = arith.addi %parallel_loop3A_221, %parallel_loop3A_222 : i32
      %parallel_loop3A_224 = arith.constant 16 : i32
      %parallel_loop3A_225 = arith.muli %parallel_loop3A_223, %parallel_loop3A_224 : i32
      %parallel_loop3A_226 = arith.index_cast %parallel_loop3A_225 : i32 to index
      %parallel_loop3A_227 = tpu.vector_load %arg6[%parallel_loop3A_226] {strides = array<i32>} : memref<8192xi32, #tpu.memory_space<vmem>>, vector<16xi32>,
      %parallel_loop3A_228 = arith.index_cast %parallel_loop3A_225 : i32 to index
      %parallel_loop3A_229 = tpu.vector_load %arg7[%parallel_loop3A_228] {strides = array<i32>} : memref<8192xi32, #tpu.memory_space<vmem>>, vector<16xi32>,
      %parallel_loop3A_230 = tpu.vector_load_idx %arg8[%parallel_loop3A_227] : memref<100000xf32, #tpu.memory_space<vmem>>[vector<16xi32>], vector<16xf32>,
      %parallel_loop3A_231 = tpu.vector_load_idx %arg8[%parallel_loop3A_229] : memref<100000xf32, #tpu.memory_space<vmem>>[vector<16xi32>], vector<16xf32>,
      %parallel_loop3A_232 = arith.mulf %parallel_loop3A_230, %parallel_loop3A_231 : vector<16xf32>
      %parallel_loop3A_233 = arith.index_cast %parallel_loop3A_107 : i32 to index
      %parallel_loop3A_234 = arith.constant 112 : index
      %parallel_loop3A_235 = tpu.vector_load %arg9[%parallel_loop3A_233, %parallel_loop3A_234] {strides = array<i32>} : memref<64x128xf32, #tpu.memory_space<vmem>>, vector<16xf32>,
      tpu.vector_store %arg9[%parallel_loop3A_233, %parallel_loop3A_234], %parallel_loop3A_232 {strides = array<i32>} : memref<64x128xf32, #tpu.memory_space<vmem>>, vector<16xf32>,
    } {sc.loop_unroll_factor = 2 : i64, sc.parallel_access}
    %mul3A_61 = arith.constant 4 : i32
    %mul3A_62 = arith.muli %arg1, %mul3A_61 : i32
    %add3A_63 = arith.constant 1 : i32
    %add3A_64 = arith.addi %add3A_63, %arg1 : i32
    %rem3A_65 = arith.constant 4 : i32
    %rem3A_66 = arith.remsi %add3A_64, %rem3A_65 : i32
    %add3A_67 = arith.addi %mul3A_62, %rem3A_66 : i32
    "tpu.region"() ({
      %run_scoped3A = tpu.sem_alloc : memref<!tpu.dma_semaphore, #tpu.memory_space<semaphore_mem>>
      %dma_start3A_107 = arith.constant 0 : i32
      %dma_start3A_108 = tpu.memref_slice %arg4[%add3A_67, %dma_start3A_107] : memref<64x100000xf32, #tpu.memory_space<hbm>> -> memref<1x100000xf32, #tpu.memory_space<hbm>>
      %dma_start3A_109 = tpu.memref_squeeze %dma_start3A_108 : memref<1x100000xf32, #tpu.memory_space<hbm>> -> memref<100000xf32, #tpu.memory_space<hbm>>
      %dma_start3A_110 = arith.constant 0 : i32
      %dma_start3A_111 = tpu.memref_slice %arg4[%add3A_67, %dma_start3A_110] : memref<64x100000xf32, #tpu.memory_space<hbm>> -> memref<1x100000xf32, #tpu.memory_space<hbm>>
      %dma_start3A_112 = tpu.memref_squeeze %dma_start3A_111 : memref<1x100000xf32, #tpu.memory_space<hbm>> -> memref<100000xf32, #tpu.memory_space<hbm>>
      tpu.enqueue_dma source(%dma_start3A_112 : memref<100000xf32, #tpu.memory_space<hbm>>) target(%arg8 : memref<100000xf32, #tpu.memory_space<vmem>>) target_semaphore(%run_scoped3A : memref<!tpu.dma_semaphore, #tpu.memory_space<semaphore_mem>>)
      %dma_wait3A_113 = arith.constant 0 : i32
      %dma_wait3A_114 = tpu.memref_slice %arg4[%add3A_67, %dma_wait3A_113] : memref<64x100000xf32, #tpu.memory_space<hbm>> -> memref<1x100000xf32, #tpu.memory_space<hbm>>
      %dma_wait3A_115 = tpu.memref_squeeze %dma_wait3A_114 : memref<1x100000xf32, #tpu.memory_space<hbm>> -> memref<100000xf32, #tpu.memory_space<hbm>>
      %dma_wait3A_116 = arith.constant 0 : i32
      %dma_wait3A_117 = tpu.memref_slice %arg4[%add3A_67, %dma_wait3A_116] : memref<64x100000xf32, #tpu.memory_space<hbm>> -> memref<1x100000xf32, #tpu.memory_space<hbm>>
      %dma_wait3A_118 = tpu.memref_squeeze %dma_wait3A_117 : memref<1x100000xf32, #tpu.memory_space<hbm>> -> memref<100000xf32, #tpu.memory_space<hbm>>
      tpu.wait_dma2 semaphore(%run_scoped3A : memref<!tpu.dma_semaphore, #tpu.memory_space<semaphore_mem>>) src(%dma_wait3A_118 : memref<100000xf32, #tpu.memory_space<hbm>>) dst(%arg8 : memref<100000xf32, #tpu.memory_space<vmem>>)
      tpu.yield
    }) : () -> ()
    %parallel_loop3A_68 = arith.constant 0 : i32
    %parallel_loop3A_69 = arith.constant 64 : i32
    %parallel_loop3A_70 = arith.constant 1 : i32
    scf.for %parallel_loop3A_107 = %parallel_loop3A_68 to %parallel_loop3A_69 step %parallel_loop3A_70  : i32 {
      %parallel_loop3A_108 = arith.constant 8 : i32
      %parallel_loop3A_109 = arith.muli %parallel_loop3A_107, %parallel_loop3A_108 : i32
      %parallel_loop3A_110 = arith.constant 0 : i32
      %parallel_loop3A_111 = arith.addi %parallel_loop3A_109, %parallel_loop3A_110 : i32
      %parallel_loop3A_112 = arith.constant 16 : i32
      %parallel_loop3A_113 = arith.muli %parallel_loop3A_111, %parallel_loop3A_112 : i32
      %parallel_loop3A_114 = arith.index_cast %parallel_loop3A_113 : i32 to index
      %parallel_loop3A_115 = tpu.vector_load %arg6[%parallel_loop3A_114] {strides = array<i32>} : memref<8192xi32, #tpu.memory_space<vmem>>, vector<16xi32>,
      %parallel_loop3A_116 = arith.index_cast %parallel_loop3A_113 : i32 to index
      %parallel_loop3A_117 = tpu.vector_load %arg7[%parallel_loop3A_116] {strides = array<i32>} : memref<8192xi32, #tpu.memory_space<vmem>>, vector<16xi32>,
      %parallel_loop3A_118 = tpu.vector_load_idx %arg8[%parallel_loop3A_115] : memref<100000xf32, #tpu.memory_space<vmem>>[vector<16xi32>], vector<16xf32>,
      %parallel_loop3A_119 = tpu.vector_load_idx %arg8[%parallel_loop3A_117] : memref<100000xf32, #tpu.memory_space<vmem>>[vector<16xi32>], vector<16xf32>,
      %parallel_loop3A_120 = arith.mulf %parallel_loop3A_118, %parallel_loop3A_119 : vector<16xf32>
      %parallel_loop3A_121 = arith.index_cast %parallel_loop3A_107 : i32 to index
      %parallel_loop3A_122 = arith.constant 0 : index
      %parallel_loop3A_123 = tpu.vector_load %arg9[%parallel_loop3A_121, %parallel_loop3A_122] {strides = array<i32>} : memref<64x128xf32, #tpu.memory_space<vmem>>, vector<16xf32>,
      tpu.vector_store %arg9[%parallel_loop3A_121, %parallel_loop3A_122], %parallel_loop3A_120 {add = true, strides = array<i32>} : memref<64x128xf32, #tpu.memory_space<vmem>>, vector<16xf32>,
      %parallel_loop3A_124 = arith.constant 8 : i32
      %parallel_loop3A_125 = arith.muli %parallel_loop3A_107, %parallel_loop3A_124 : i32
      %parallel_loop3A_126 = arith.constant 1 : i32
      %parallel_loop3A_127 = arith.addi %parallel_loop3A_125, %parallel_loop3A_126 : i32
      %parallel_loop3A_128 = arith.constant 16 : i32
      %parallel_loop3A_129 = arith.muli %parallel_loop3A_127, %parallel_loop3A_128 : i32
      %parallel_loop3A_130 = arith.index_cast %parallel_loop3A_129 : i32 to index
      %parallel_loop3A_131 = tpu.vector_load %arg6[%parallel_loop3A_130] {strides = array<i32>} : memref<8192xi32, #tpu.memory_space<vmem>>, vector<16xi32>,
      %parallel_loop3A_132 = arith.index_cast %parallel_loop3A_129 : i32 to index
      %parallel_loop3A_133 = tpu.vector_load %arg7[%parallel_loop3A_132] {strides = array<i32>} : memref<8192xi32, #tpu.memory_space<vmem>>, vector<16xi32>,
      %parallel_loop3A_134 = tpu.vector_load_idx %arg8[%parallel_loop3A_131] : memref<100000xf32, #tpu.memory_space<vmem>>[vector<16xi32>], vector<16xf32>,
      %parallel_loop3A_135 = tpu.vector_load_idx %arg8[%parallel_loop3A_133] : memref<100000xf32, #tpu.memory_space<vmem>>[vector<16xi32>], vector<16xf32>,
      %parallel_loop3A_136 = arith.mulf %parallel_loop3A_134, %parallel_loop3A_135 : vector<16xf32>
      %parallel_loop3A_137 = arith.index_cast %parallel_loop3A_107 : i32 to index
      %parallel_loop3A_138 = arith.constant 16 : index
      %parallel_loop3A_139 = tpu.vector_load %arg9[%parallel_loop3A_137, %parallel_loop3A_138] {strides = array<i32>} : memref<64x128xf32, #tpu.memory_space<vmem>>, vector<16xf32>,
      tpu.vector_store %arg9[%parallel_loop3A_137, %parallel_loop3A_138], %parallel_loop3A_136 {add = true, strides = array<i32>} : memref<64x128xf32, #tpu.memory_space<vmem>>, vector<16xf32>,
      %parallel_loop3A_140 = arith.constant 8 : i32
      %parallel_loop3A_141 = arith.muli %parallel_loop3A_107, %parallel_loop3A_140 : i32
      %parallel_loop3A_142 = arith.constant 2 : i32
      %parallel_loop3A_143 = arith.addi %parallel_loop3A_141, %parallel_loop3A_142 : i32
      %parallel_loop3A_144 = arith.constant 16 : i32
      %parallel_loop3A_145 = arith.muli %parallel_loop3A_143, %parallel_loop3A_144 : i32
      %parallel_loop3A_146 = arith.index_cast %parallel_loop3A_145 : i32 to index
      %parallel_loop3A_147 = tpu.vector_load %arg6[%parallel_loop3A_146] {strides = array<i32>} : memref<8192xi32, #tpu.memory_space<vmem>>, vector<16xi32>,
      %parallel_loop3A_148 = arith.index_cast %parallel_loop3A_145 : i32 to index
      %parallel_loop3A_149 = tpu.vector_load %arg7[%parallel_loop3A_148] {strides = array<i32>} : memref<8192xi32, #tpu.memory_space<vmem>>, vector<16xi32>,
      %parallel_loop3A_150 = tpu.vector_load_idx %arg8[%parallel_loop3A_147] : memref<100000xf32, #tpu.memory_space<vmem>>[vector<16xi32>], vector<16xf32>,
      %parallel_loop3A_151 = tpu.vector_load_idx %arg8[%parallel_loop3A_149] : memref<100000xf32, #tpu.memory_space<vmem>>[vector<16xi32>], vector<16xf32>,
      %parallel_loop3A_152 = arith.mulf %parallel_loop3A_150, %parallel_loop3A_151 : vector<16xf32>
      %parallel_loop3A_153 = arith.index_cast %parallel_loop3A_107 : i32 to index
      %parallel_loop3A_154 = arith.constant 32 : index
      %parallel_loop3A_155 = tpu.vector_load %arg9[%parallel_loop3A_153, %parallel_loop3A_154] {strides = array<i32>} : memref<64x128xf32, #tpu.memory_space<vmem>>, vector<16xf32>,
      tpu.vector_store %arg9[%parallel_loop3A_153, %parallel_loop3A_154], %parallel_loop3A_152 {add = true, strides = array<i32>} : memref<64x128xf32, #tpu.memory_space<vmem>>, vector<16xf32>,
      %parallel_loop3A_156 = arith.constant 8 : i32
      %parallel_loop3A_157 = arith.muli %parallel_loop3A_107, %parallel_loop3A_156 : i32
      %parallel_loop3A_158 = arith.constant 3 : i32
      %parallel_loop3A_159 = arith.addi %parallel_loop3A_157, %parallel_loop3A_158 : i32
      %parallel_loop3A_160 = arith.constant 16 : i32
      %parallel_loop3A_161 = arith.muli %parallel_loop3A_159, %parallel_loop3A_160 : i32
      %parallel_loop3A_162 = arith.index_cast %parallel_loop3A_161 : i32 to index
      %parallel_loop3A_163 = tpu.vector_load %arg6[%parallel_loop3A_162] {strides = array<i32>} : memref<8192xi32, #tpu.memory_space<vmem>>, vector<16xi32>,
      %parallel_loop3A_164 = arith.index_cast %parallel_loop3A_161 : i32 to index
      %parallel_loop3A_165 = tpu.vector_load %arg7[%parallel_loop3A_164] {strides = array<i32>} : memref<8192xi32, #tpu.memory_space<vmem>>, vector<16xi32>,
      %parallel_loop3A_166 = tpu.vector_load_idx %arg8[%parallel_loop3A_163] : memref<100000xf32, #tpu.memory_space<vmem>>[vector<16xi32>], vector<16xf32>,
      %parallel_loop3A_167 = tpu.vector_load_idx %arg8[%parallel_loop3A_165] : memref<100000xf32, #tpu.memory_space<vmem>>[vector<16xi32>], vector<16xf32>,
      %parallel_loop3A_168 = arith.mulf %parallel_loop3A_166, %parallel_loop3A_167 : vector<16xf32>
      %parallel_loop3A_169 = arith.index_cast %parallel_loop3A_107 : i32 to index
      %parallel_loop3A_170 = arith.constant 48 : index
      %parallel_loop3A_171 = tpu.vector_load %arg9[%parallel_loop3A_169, %parallel_loop3A_170] {strides = array<i32>} : memref<64x128xf32, #tpu.memory_space<vmem>>, vector<16xf32>,
      tpu.vector_store %arg9[%parallel_loop3A_169, %parallel_loop3A_170], %parallel_loop3A_168 {add = true, strides = array<i32>} : memref<64x128xf32, #tpu.memory_space<vmem>>, vector<16xf32>,
      %parallel_loop3A_172 = arith.constant 8 : i32
      %parallel_loop3A_173 = arith.muli %parallel_loop3A_107, %parallel_loop3A_172 : i32
      %parallel_loop3A_174 = arith.constant 4 : i32
      %parallel_loop3A_175 = arith.addi %parallel_loop3A_173, %parallel_loop3A_174 : i32
      %parallel_loop3A_176 = arith.constant 16 : i32
      %parallel_loop3A_177 = arith.muli %parallel_loop3A_175, %parallel_loop3A_176 : i32
      %parallel_loop3A_178 = arith.index_cast %parallel_loop3A_177 : i32 to index
      %parallel_loop3A_179 = tpu.vector_load %arg6[%parallel_loop3A_178] {strides = array<i32>} : memref<8192xi32, #tpu.memory_space<vmem>>, vector<16xi32>,
      %parallel_loop3A_180 = arith.index_cast %parallel_loop3A_177 : i32 to index
      %parallel_loop3A_181 = tpu.vector_load %arg7[%parallel_loop3A_180] {strides = array<i32>} : memref<8192xi32, #tpu.memory_space<vmem>>, vector<16xi32>,
      %parallel_loop3A_182 = tpu.vector_load_idx %arg8[%parallel_loop3A_179] : memref<100000xf32, #tpu.memory_space<vmem>>[vector<16xi32>], vector<16xf32>,
      %parallel_loop3A_183 = tpu.vector_load_idx %arg8[%parallel_loop3A_181] : memref<100000xf32, #tpu.memory_space<vmem>>[vector<16xi32>], vector<16xf32>,
      %parallel_loop3A_184 = arith.mulf %parallel_loop3A_182, %parallel_loop3A_183 : vector<16xf32>
      %parallel_loop3A_185 = arith.index_cast %parallel_loop3A_107 : i32 to index
      %parallel_loop3A_186 = arith.constant 64 : index
      %parallel_loop3A_187 = tpu.vector_load %arg9[%parallel_loop3A_185, %parallel_loop3A_186] {strides = array<i32>} : memref<64x128xf32, #tpu.memory_space<vmem>>, vector<16xf32>,
      tpu.vector_store %arg9[%parallel_loop3A_185, %parallel_loop3A_186], %parallel_loop3A_184 {add = true, strides = array<i32>} : memref<64x128xf32, #tpu.memory_space<vmem>>, vector<16xf32>,
      %parallel_loop3A_188 = arith.constant 8 : i32
      %parallel_loop3A_189 = arith.muli %parallel_loop3A_107, %parallel_loop3A_188 : i32
      %parallel_loop3A_190 = arith.constant 5 : i32
      %parallel_loop3A_191 = arith.addi %parallel_loop3A_189, %parallel_loop3A_190 : i32
      %parallel_loop3A_192 = arith.constant 16 : i32
      %parallel_loop3A_193 = arith.muli %parallel_loop3A_191, %parallel_loop3A_192 : i32
      %parallel_loop3A_194 = arith.index_cast %parallel_loop3A_193 : i32 to index
      %parallel_loop3A_195 = tpu.vector_load %arg6[%parallel_loop3A_194] {strides = array<i32>} : memref<8192xi32, #tpu.memory_space<vmem>>, vector<16xi32>,
      %parallel_loop3A_196 = arith.index_cast %parallel_loop3A_193 : i32 to index
      %parallel_loop3A_197 = tpu.vector_load %arg7[%parallel_loop3A_196] {strides = array<i32>} : memref<8192xi32, #tpu.memory_space<vmem>>, vector<16xi32>,
      %parallel_loop3A_198 = tpu.vector_load_idx %arg8[%parallel_loop3A_195] : memref<100000xf32, #tpu.memory_space<vmem>>[vector<16xi32>], vector<16xf32>,
      %parallel_loop3A_199 = tpu.vector_load_idx %arg8[%parallel_loop3A_197] : memref<100000xf32, #tpu.memory_space<vmem>>[vector<16xi32>], vector<16xf32>,
      %parallel_loop3A_200 = arith.mulf %parallel_loop3A_198, %parallel_loop3A_199 : vector<16xf32>
      %parallel_loop3A_201 = arith.index_cast %parallel_loop3A_107 : i32 to index
      %parallel_loop3A_202 = arith.constant 80 : index
      %parallel_loop3A_203 = tpu.vector_load %arg9[%parallel_loop3A_201, %parallel_loop3A_202] {strides = array<i32>} : memref<64x128xf32, #tpu.memory_space<vmem>>, vector<16xf32>,
      tpu.vector_store %arg9[%parallel_loop3A_201, %parallel_loop3A_202], %parallel_loop3A_200 {add = true, strides = array<i32>} : memref<64x128xf32, #tpu.memory_space<vmem>>, vector<16xf32>,
      %parallel_loop3A_204 = arith.constant 8 : i32
      %parallel_loop3A_205 = arith.muli %parallel_loop3A_107, %parallel_loop3A_204 : i32
      %parallel_loop3A_206 = arith.constant 6 : i32
      %parallel_loop3A_207 = arith.addi %parallel_loop3A_205, %parallel_loop3A_206 : i32
      %parallel_loop3A_208 = arith.constant 16 : i32
      %parallel_loop3A_209 = arith.muli %parallel_loop3A_207, %parallel_loop3A_208 : i32
      %parallel_loop3A_210 = arith.index_cast %parallel_loop3A_209 : i32 to index
      %parallel_loop3A_211 = tpu.vector_load %arg6[%parallel_loop3A_210] {strides = array<i32>} : memref<8192xi32, #tpu.memory_space<vmem>>, vector<16xi32>,
      %parallel_loop3A_212 = arith.index_cast %parallel_loop3A_209 : i32 to index
      %parallel_loop3A_213 = tpu.vector_load %arg7[%parallel_loop3A_212] {strides = array<i32>} : memref<8192xi32, #tpu.memory_space<vmem>>, vector<16xi32>,
      %parallel_loop3A_214 = tpu.vector_load_idx %arg8[%parallel_loop3A_211] : memref<100000xf32, #tpu.memory_space<vmem>>[vector<16xi32>], vector<16xf32>,
      %parallel_loop3A_215 = tpu.vector_load_idx %arg8[%parallel_loop3A_213] : memref<100000xf32, #tpu.memory_space<vmem>>[vector<16xi32>], vector<16xf32>,
      %parallel_loop3A_216 = arith.mulf %parallel_loop3A_214, %parallel_loop3A_215 : vector<16xf32>
      %parallel_loop3A_217 = arith.index_cast %parallel_loop3A_107 : i32 to index
      %parallel_loop3A_218 = arith.constant 96 : index
      %parallel_loop3A_219 = tpu.vector_load %arg9[%parallel_loop3A_217, %parallel_loop3A_218] {strides = array<i32>} : memref<64x128xf32, #tpu.memory_space<vmem>>, vector<16xf32>,
      tpu.vector_store %arg9[%parallel_loop3A_217, %parallel_loop3A_218], %parallel_loop3A_216 {add = true, strides = array<i32>} : memref<64x128xf32, #tpu.memory_space<vmem>>, vector<16xf32>,
      %parallel_loop3A_220 = arith.constant 8 : i32
      %parallel_loop3A_221 = arith.muli %parallel_loop3A_107, %parallel_loop3A_220 : i32
      %parallel_loop3A_222 = arith.constant 7 : i32
      %parallel_loop3A_223 = arith.addi %parallel_loop3A_221, %parallel_loop3A_222 : i32
      %parallel_loop3A_224 = arith.constant 16 : i32
      %parallel_loop3A_225 = arith.muli %parallel_loop3A_223, %parallel_loop3A_224 : i32
      %parallel_loop3A_226 = arith.index_cast %parallel_loop3A_225 : i32 to index
      %parallel_loop3A_227 = tpu.vector_load %arg6[%parallel_loop3A_226] {strides = array<i32>} : memref<8192xi32, #tpu.memory_space<vmem>>, vector<16xi32>,
      %parallel_loop3A_228 = arith.index_cast %parallel_loop3A_225 : i32 to index
      %parallel_loop3A_229 = tpu.vector_load %arg7[%parallel_loop3A_228] {strides = array<i32>} : memref<8192xi32, #tpu.memory_space<vmem>>, vector<16xi32>,
      %parallel_loop3A_230 = tpu.vector_load_idx %arg8[%parallel_loop3A_227] : memref<100000xf32, #tpu.memory_space<vmem>>[vector<16xi32>], vector<16xf32>,
      %parallel_loop3A_231 = tpu.vector_load_idx %arg8[%parallel_loop3A_229] : memref<100000xf32, #tpu.memory_space<vmem>>[vector<16xi32>], vector<16xf32>,
      %parallel_loop3A_232 = arith.mulf %parallel_loop3A_230, %parallel_loop3A_231 : vector<16xf32>
      %parallel_loop3A_233 = arith.index_cast %parallel_loop3A_107 : i32 to index
      %parallel_loop3A_234 = arith.constant 112 : index
      %parallel_loop3A_235 = tpu.vector_load %arg9[%parallel_loop3A_233, %parallel_loop3A_234] {strides = array<i32>} : memref<64x128xf32, #tpu.memory_space<vmem>>, vector<16xf32>,
      tpu.vector_store %arg9[%parallel_loop3A_233, %parallel_loop3A_234], %parallel_loop3A_232 {add = true, strides = array<i32>} : memref<64x128xf32, #tpu.memory_space<vmem>>, vector<16xf32>,
    } {sc.loop_unroll_factor = 2 : i64, sc.parallel_access}
    %mul3A_71 = arith.constant 4 : i32
    %mul3A_72 = arith.muli %arg1, %mul3A_71 : i32
    %add3A_73 = arith.constant 2 : i32
    %add3A_74 = arith.addi %add3A_73, %arg1 : i32
    %rem3A_75 = arith.constant 4 : i32
    %rem3A_76 = arith.remsi %add3A_74, %rem3A_75 : i32
    %add3A_77 = arith.addi %mul3A_72, %rem3A_76 : i32
    "tpu.region"() ({
      %run_scoped3A = tpu.sem_alloc : memref<!tpu.dma_semaphore, #tpu.memory_space<semaphore_mem>>
      %dma_start3A_107 = arith.constant 0 : i32
      %dma_start3A_108 = tpu.memref_slice %arg4[%add3A_77, %dma_start3A_107] : memref<64x100000xf32, #tpu.memory_space<hbm>> -> memref<1x100000xf32, #tpu.memory_space<hbm>>
      %dma_start3A_109 = tpu.memref_squeeze %dma_start3A_108 : memref<1x100000xf32, #tpu.memory_space<hbm>> -> memref<100000xf32, #tpu.memory_space<hbm>>
      %dma_start3A_110 = arith.constant 0 : i32
      %dma_start3A_111 = tpu.memref_slice %arg4[%add3A_77, %dma_start3A_110] : memref<64x100000xf32, #tpu.memory_space<hbm>> -> memref<1x100000xf32, #tpu.memory_space<hbm>>
      %dma_start3A_112 = tpu.memref_squeeze %dma_start3A_111 : memref<1x100000xf32, #tpu.memory_space<hbm>> -> memref<100000xf32, #tpu.memory_space<hbm>>
      tpu.enqueue_dma source(%dma_start3A_112 : memref<100000xf32, #tpu.memory_space<hbm>>) target(%arg8 : memref<100000xf32, #tpu.memory_space<vmem>>) target_semaphore(%run_scoped3A : memref<!tpu.dma_semaphore, #tpu.memory_space<semaphore_mem>>)
      %dma_wait3A_113 = arith.constant 0 : i32
      %dma_wait3A_114 = tpu.memref_slice %arg4[%add3A_77, %dma_wait3A_113] : memref<64x100000xf32, #tpu.memory_space<hbm>> -> memref<1x100000xf32, #tpu.memory_space<hbm>>
      %dma_wait3A_115 = tpu.memref_squeeze %dma_wait3A_114 : memref<1x100000xf32, #tpu.memory_space<hbm>> -> memref<100000xf32, #tpu.memory_space<hbm>>
      %dma_wait3A_116 = arith.constant 0 : i32
      %dma_wait3A_117 = tpu.memref_slice %arg4[%add3A_77, %dma_wait3A_116] : memref<64x100000xf32, #tpu.memory_space<hbm>> -> memref<1x100000xf32, #tpu.memory_space<hbm>>
      %dma_wait3A_118 = tpu.memref_squeeze %dma_wait3A_117 : memref<1x100000xf32, #tpu.memory_space<hbm>> -> memref<100000xf32, #tpu.memory_space<hbm>>
      tpu.wait_dma2 semaphore(%run_scoped3A : memref<!tpu.dma_semaphore, #tpu.memory_space<semaphore_mem>>) src(%dma_wait3A_118 : memref<100000xf32, #tpu.memory_space<hbm>>) dst(%arg8 : memref<100000xf32, #tpu.memory_space<vmem>>)
      tpu.yield
    }) : () -> ()
    %parallel_loop3A_78 = arith.constant 0 : i32
    %parallel_loop3A_79 = arith.constant 64 : i32
    %parallel_loop3A_80 = arith.constant 1 : i32
    scf.for %parallel_loop3A_107 = %parallel_loop3A_78 to %parallel_loop3A_79 step %parallel_loop3A_80  : i32 {
      %parallel_loop3A_108 = arith.constant 8 : i32
      %parallel_loop3A_109 = arith.muli %parallel_loop3A_107, %parallel_loop3A_108 : i32
      %parallel_loop3A_110 = arith.constant 0 : i32
      %parallel_loop3A_111 = arith.addi %parallel_loop3A_109, %parallel_loop3A_110 : i32
      %parallel_loop3A_112 = arith.constant 16 : i32
      %parallel_loop3A_113 = arith.muli %parallel_loop3A_111, %parallel_loop3A_112 : i32
      %parallel_loop3A_114 = arith.index_cast %parallel_loop3A_113 : i32 to index
      %parallel_loop3A_115 = tpu.vector_load %arg6[%parallel_loop3A_114] {strides = array<i32>} : memref<8192xi32, #tpu.memory_space<vmem>>, vector<16xi32>,
      %parallel_loop3A_116 = arith.index_cast %parallel_loop3A_113 : i32 to index
      %parallel_loop3A_117 = tpu.vector_load %arg7[%parallel_loop3A_116] {strides = array<i32>} : memref<8192xi32, #tpu.memory_space<vmem>>, vector<16xi32>,
      %parallel_loop3A_118 = tpu.vector_load_idx %arg8[%parallel_loop3A_115] : memref<100000xf32, #tpu.memory_space<vmem>>[vector<16xi32>], vector<16xf32>,
      %parallel_loop3A_119 = tpu.vector_load_idx %arg8[%parallel_loop3A_117] : memref<100000xf32, #tpu.memory_space<vmem>>[vector<16xi32>], vector<16xf32>,
      %parallel_loop3A_120 = arith.mulf %parallel_loop3A_118, %parallel_loop3A_119 : vector<16xf32>
      %parallel_loop3A_121 = arith.index_cast %parallel_loop3A_107 : i32 to index
      %parallel_loop3A_122 = arith.constant 0 : index
      %parallel_loop3A_123 = tpu.vector_load %arg9[%parallel_loop3A_121, %parallel_loop3A_122] {strides = array<i32>} : memref<64x128xf32, #tpu.memory_space<vmem>>, vector<16xf32>,
      tpu.vector_store %arg9[%parallel_loop3A_121, %parallel_loop3A_122], %parallel_loop3A_120 {add = true, strides = array<i32>} : memref<64x128xf32, #tpu.memory_space<vmem>>, vector<16xf32>,
      %parallel_loop3A_124 = arith.constant 8 : i32
      %parallel_loop3A_125 = arith.muli %parallel_loop3A_107, %parallel_loop3A_124 : i32
      %parallel_loop3A_126 = arith.constant 1 : i32
      %parallel_loop3A_127 = arith.addi %parallel_loop3A_125, %parallel_loop3A_126 : i32
      %parallel_loop3A_128 = arith.constant 16 : i32
      %parallel_loop3A_129 = arith.muli %parallel_loop3A_127, %parallel_loop3A_128 : i32
      %parallel_loop3A_130 = arith.index_cast %parallel_loop3A_129 : i32 to index
      %parallel_loop3A_131 = tpu.vector_load %arg6[%parallel_loop3A_130] {strides = array<i32>} : memref<8192xi32, #tpu.memory_space<vmem>>, vector<16xi32>,
      %parallel_loop3A_132 = arith.index_cast %parallel_loop3A_129 : i32 to index
      %parallel_loop3A_133 = tpu.vector_load %arg7[%parallel_loop3A_132] {strides = array<i32>} : memref<8192xi32, #tpu.memory_space<vmem>>, vector<16xi32>,
      %parallel_loop3A_134 = tpu.vector_load_idx %arg8[%parallel_loop3A_131] : memref<100000xf32, #tpu.memory_space<vmem>>[vector<16xi32>], vector<16xf32>,
      %parallel_loop3A_135 = tpu.vector_load_idx %arg8[%parallel_loop3A_133] : memref<100000xf32, #tpu.memory_space<vmem>>[vector<16xi32>], vector<16xf32>,
      %parallel_loop3A_136 = arith.mulf %parallel_loop3A_134, %parallel_loop3A_135 : vector<16xf32>
      %parallel_loop3A_137 = arith.index_cast %parallel_loop3A_107 : i32 to index
      %parallel_loop3A_138 = arith.constant 16 : index
      %parallel_loop3A_139 = tpu.vector_load %arg9[%parallel_loop3A_137, %parallel_loop3A_138] {strides = array<i32>} : memref<64x128xf32, #tpu.memory_space<vmem>>, vector<16xf32>,
      tpu.vector_store %arg9[%parallel_loop3A_137, %parallel_loop3A_138], %parallel_loop3A_136 {add = true, strides = array<i32>} : memref<64x128xf32, #tpu.memory_space<vmem>>, vector<16xf32>,
      %parallel_loop3A_140 = arith.constant 8 : i32
      %parallel_loop3A_141 = arith.muli %parallel_loop3A_107, %parallel_loop3A_140 : i32
      %parallel_loop3A_142 = arith.constant 2 : i32
      %parallel_loop3A_143 = arith.addi %parallel_loop3A_141, %parallel_loop3A_142 : i32
      %parallel_loop3A_144 = arith.constant 16 : i32
      %parallel_loop3A_145 = arith.muli %parallel_loop3A_143, %parallel_loop3A_144 : i32
      %parallel_loop3A_146 = arith.index_cast %parallel_loop3A_145 : i32 to index
      %parallel_loop3A_147 = tpu.vector_load %arg6[%parallel_loop3A_146] {strides = array<i32>} : memref<8192xi32, #tpu.memory_space<vmem>>, vector<16xi32>,
      %parallel_loop3A_148 = arith.index_cast %parallel_loop3A_145 : i32 to index
      %parallel_loop3A_149 = tpu.vector_load %arg7[%parallel_loop3A_148] {strides = array<i32>} : memref<8192xi32, #tpu.memory_space<vmem>>, vector<16xi32>,
      %parallel_loop3A_150 = tpu.vector_load_idx %arg8[%parallel_loop3A_147] : memref<100000xf32, #tpu.memory_space<vmem>>[vector<16xi32>], vector<16xf32>,
      %parallel_loop3A_151 = tpu.vector_load_idx %arg8[%parallel_loop3A_149] : memref<100000xf32, #tpu.memory_space<vmem>>[vector<16xi32>], vector<16xf32>,
      %parallel_loop3A_152 = arith.mulf %parallel_loop3A_150, %parallel_loop3A_151 : vector<16xf32>
      %parallel_loop3A_153 = arith.index_cast %parallel_loop3A_107 : i32 to index
      %parallel_loop3A_154 = arith.constant 32 : index
      %parallel_loop3A_155 = tpu.vector_load %arg9[%parallel_loop3A_153, %parallel_loop3A_154] {strides = array<i32>} : memref<64x128xf32, #tpu.memory_space<vmem>>, vector<16xf32>,
      tpu.vector_store %arg9[%parallel_loop3A_153, %parallel_loop3A_154], %parallel_loop3A_152 {add = true, strides = array<i32>} : memref<64x128xf32, #tpu.memory_space<vmem>>, vector<16xf32>,
      %parallel_loop3A_156 = arith.constant 8 : i32
      %parallel_loop3A_157 = arith.muli %parallel_loop3A_107, %parallel_loop3A_156 : i32
      %parallel_loop3A_158 = arith.constant 3 : i32
      %parallel_loop3A_159 = arith.addi %parallel_loop3A_157, %parallel_loop3A_158 : i32
      %parallel_loop3A_160 = arith.constant 16 : i32
      %parallel_loop3A_161 = arith.muli %parallel_loop3A_159, %parallel_loop3A_160 : i32
      %parallel_loop3A_162 = arith.index_cast %parallel_loop3A_161 : i32 to index
      %parallel_loop3A_163 = tpu.vector_load %arg6[%parallel_loop3A_162] {strides = array<i32>} : memref<8192xi32, #tpu.memory_space<vmem>>, vector<16xi32>,
      %parallel_loop3A_164 = arith.index_cast %parallel_loop3A_161 : i32 to index
      %parallel_loop3A_165 = tpu.vector_load %arg7[%parallel_loop3A_164] {strides = array<i32>} : memref<8192xi32, #tpu.memory_space<vmem>>, vector<16xi32>,
      %parallel_loop3A_166 = tpu.vector_load_idx %arg8[%parallel_loop3A_163] : memref<100000xf32, #tpu.memory_space<vmem>>[vector<16xi32>], vector<16xf32>,
      %parallel_loop3A_167 = tpu.vector_load_idx %arg8[%parallel_loop3A_165] : memref<100000xf32, #tpu.memory_space<vmem>>[vector<16xi32>], vector<16xf32>,
      %parallel_loop3A_168 = arith.mulf %parallel_loop3A_166, %parallel_loop3A_167 : vector<16xf32>
      %parallel_loop3A_169 = arith.index_cast %parallel_loop3A_107 : i32 to index
      %parallel_loop3A_170 = arith.constant 48 : index
      %parallel_loop3A_171 = tpu.vector_load %arg9[%parallel_loop3A_169, %parallel_loop3A_170] {strides = array<i32>} : memref<64x128xf32, #tpu.memory_space<vmem>>, vector<16xf32>,
      tpu.vector_store %arg9[%parallel_loop3A_169, %parallel_loop3A_170], %parallel_loop3A_168 {add = true, strides = array<i32>} : memref<64x128xf32, #tpu.memory_space<vmem>>, vector<16xf32>,
      %parallel_loop3A_172 = arith.constant 8 : i32
      %parallel_loop3A_173 = arith.muli %parallel_loop3A_107, %parallel_loop3A_172 : i32
      %parallel_loop3A_174 = arith.constant 4 : i32
      %parallel_loop3A_175 = arith.addi %parallel_loop3A_173, %parallel_loop3A_174 : i32
      %parallel_loop3A_176 = arith.constant 16 : i32
      %parallel_loop3A_177 = arith.muli %parallel_loop3A_175, %parallel_loop3A_176 : i32
      %parallel_loop3A_178 = arith.index_cast %parallel_loop3A_177 : i32 to index
      %parallel_loop3A_179 = tpu.vector_load %arg6[%parallel_loop3A_178] {strides = array<i32>} : memref<8192xi32, #tpu.memory_space<vmem>>, vector<16xi32>,
      %parallel_loop3A_180 = arith.index_cast %parallel_loop3A_177 : i32 to index
      %parallel_loop3A_181 = tpu.vector_load %arg7[%parallel_loop3A_180] {strides = array<i32>} : memref<8192xi32, #tpu.memory_space<vmem>>, vector<16xi32>,
      %parallel_loop3A_182 = tpu.vector_load_idx %arg8[%parallel_loop3A_179] : memref<100000xf32, #tpu.memory_space<vmem>>[vector<16xi32>], vector<16xf32>,
      %parallel_loop3A_183 = tpu.vector_load_idx %arg8[%parallel_loop3A_181] : memref<100000xf32, #tpu.memory_space<vmem>>[vector<16xi32>], vector<16xf32>,
      %parallel_loop3A_184 = arith.mulf %parallel_loop3A_182, %parallel_loop3A_183 : vector<16xf32>
      %parallel_loop3A_185 = arith.index_cast %parallel_loop3A_107 : i32 to index
      %parallel_loop3A_186 = arith.constant 64 : index
      %parallel_loop3A_187 = tpu.vector_load %arg9[%parallel_loop3A_185, %parallel_loop3A_186] {strides = array<i32>} : memref<64x128xf32, #tpu.memory_space<vmem>>, vector<16xf32>,
      tpu.vector_store %arg9[%parallel_loop3A_185, %parallel_loop3A_186], %parallel_loop3A_184 {add = true, strides = array<i32>} : memref<64x128xf32, #tpu.memory_space<vmem>>, vector<16xf32>,
      %parallel_loop3A_188 = arith.constant 8 : i32
      %parallel_loop3A_189 = arith.muli %parallel_loop3A_107, %parallel_loop3A_188 : i32
      %parallel_loop3A_190 = arith.constant 5 : i32
      %parallel_loop3A_191 = arith.addi %parallel_loop3A_189, %parallel_loop3A_190 : i32
      %parallel_loop3A_192 = arith.constant 16 : i32
      %parallel_loop3A_193 = arith.muli %parallel_loop3A_191, %parallel_loop3A_192 : i32
      %parallel_loop3A_194 = arith.index_cast %parallel_loop3A_193 : i32 to index
      %parallel_loop3A_195 = tpu.vector_load %arg6[%parallel_loop3A_194] {strides = array<i32>} : memref<8192xi32, #tpu.memory_space<vmem>>, vector<16xi32>,
      %parallel_loop3A_196 = arith.index_cast %parallel_loop3A_193 : i32 to index
      %parallel_loop3A_197 = tpu.vector_load %arg7[%parallel_loop3A_196] {strides = array<i32>} : memref<8192xi32, #tpu.memory_space<vmem>>, vector<16xi32>,
      %parallel_loop3A_198 = tpu.vector_load_idx %arg8[%parallel_loop3A_195] : memref<100000xf32, #tpu.memory_space<vmem>>[vector<16xi32>], vector<16xf32>,
      %parallel_loop3A_199 = tpu.vector_load_idx %arg8[%parallel_loop3A_197] : memref<100000xf32, #tpu.memory_space<vmem>>[vector<16xi32>], vector<16xf32>,
      %parallel_loop3A_200 = arith.mulf %parallel_loop3A_198, %parallel_loop3A_199 : vector<16xf32>
      %parallel_loop3A_201 = arith.index_cast %parallel_loop3A_107 : i32 to index
      %parallel_loop3A_202 = arith.constant 80 : index
      %parallel_loop3A_203 = tpu.vector_load %arg9[%parallel_loop3A_201, %parallel_loop3A_202] {strides = array<i32>} : memref<64x128xf32, #tpu.memory_space<vmem>>, vector<16xf32>,
      tpu.vector_store %arg9[%parallel_loop3A_201, %parallel_loop3A_202], %parallel_loop3A_200 {add = true, strides = array<i32>} : memref<64x128xf32, #tpu.memory_space<vmem>>, vector<16xf32>,
      %parallel_loop3A_204 = arith.constant 8 : i32
      %parallel_loop3A_205 = arith.muli %parallel_loop3A_107, %parallel_loop3A_204 : i32
      %parallel_loop3A_206 = arith.constant 6 : i32
      %parallel_loop3A_207 = arith.addi %parallel_loop3A_205, %parallel_loop3A_206 : i32
      %parallel_loop3A_208 = arith.constant 16 : i32
      %parallel_loop3A_209 = arith.muli %parallel_loop3A_207, %parallel_loop3A_208 : i32
      %parallel_loop3A_210 = arith.index_cast %parallel_loop3A_209 : i32 to index
      %parallel_loop3A_211 = tpu.vector_load %arg6[%parallel_loop3A_210] {strides = array<i32>} : memref<8192xi32, #tpu.memory_space<vmem>>, vector<16xi32>,
      %parallel_loop3A_212 = arith.index_cast %parallel_loop3A_209 : i32 to index
      %parallel_loop3A_213 = tpu.vector_load %arg7[%parallel_loop3A_212] {strides = array<i32>} : memref<8192xi32, #tpu.memory_space<vmem>>, vector<16xi32>,
      %parallel_loop3A_214 = tpu.vector_load_idx %arg8[%parallel_loop3A_211] : memref<100000xf32, #tpu.memory_space<vmem>>[vector<16xi32>], vector<16xf32>,
      %parallel_loop3A_215 = tpu.vector_load_idx %arg8[%parallel_loop3A_213] : memref<100000xf32, #tpu.memory_space<vmem>>[vector<16xi32>], vector<16xf32>,
      %parallel_loop3A_216 = arith.mulf %parallel_loop3A_214, %parallel_loop3A_215 : vector<16xf32>
      %parallel_loop3A_217 = arith.index_cast %parallel_loop3A_107 : i32 to index
      %parallel_loop3A_218 = arith.constant 96 : index
      %parallel_loop3A_219 = tpu.vector_load %arg9[%parallel_loop3A_217, %parallel_loop3A_218] {strides = array<i32>} : memref<64x128xf32, #tpu.memory_space<vmem>>, vector<16xf32>,
      tpu.vector_store %arg9[%parallel_loop3A_217, %parallel_loop3A_218], %parallel_loop3A_216 {add = true, strides = array<i32>} : memref<64x128xf32, #tpu.memory_space<vmem>>, vector<16xf32>,
      %parallel_loop3A_220 = arith.constant 8 : i32
      %parallel_loop3A_221 = arith.muli %parallel_loop3A_107, %parallel_loop3A_220 : i32
      %parallel_loop3A_222 = arith.constant 7 : i32
      %parallel_loop3A_223 = arith.addi %parallel_loop3A_221, %parallel_loop3A_222 : i32
      %parallel_loop3A_224 = arith.constant 16 : i32
      %parallel_loop3A_225 = arith.muli %parallel_loop3A_223, %parallel_loop3A_224 : i32
      %parallel_loop3A_226 = arith.index_cast %parallel_loop3A_225 : i32 to index
      %parallel_loop3A_227 = tpu.vector_load %arg6[%parallel_loop3A_226] {strides = array<i32>} : memref<8192xi32, #tpu.memory_space<vmem>>, vector<16xi32>,
      %parallel_loop3A_228 = arith.index_cast %parallel_loop3A_225 : i32 to index
      %parallel_loop3A_229 = tpu.vector_load %arg7[%parallel_loop3A_228] {strides = array<i32>} : memref<8192xi32, #tpu.memory_space<vmem>>, vector<16xi32>,
      %parallel_loop3A_230 = tpu.vector_load_idx %arg8[%parallel_loop3A_227] : memref<100000xf32, #tpu.memory_space<vmem>>[vector<16xi32>], vector<16xf32>,
      %parallel_loop3A_231 = tpu.vector_load_idx %arg8[%parallel_loop3A_229] : memref<100000xf32, #tpu.memory_space<vmem>>[vector<16xi32>], vector<16xf32>,
      %parallel_loop3A_232 = arith.mulf %parallel_loop3A_230, %parallel_loop3A_231 : vector<16xf32>
      %parallel_loop3A_233 = arith.index_cast %parallel_loop3A_107 : i32 to index
      %parallel_loop3A_234 = arith.constant 112 : index
      %parallel_loop3A_235 = tpu.vector_load %arg9[%parallel_loop3A_233, %parallel_loop3A_234] {strides = array<i32>} : memref<64x128xf32, #tpu.memory_space<vmem>>, vector<16xf32>,
      tpu.vector_store %arg9[%parallel_loop3A_233, %parallel_loop3A_234], %parallel_loop3A_232 {add = true, strides = array<i32>} : memref<64x128xf32, #tpu.memory_space<vmem>>, vector<16xf32>,
    } {sc.loop_unroll_factor = 2 : i64, sc.parallel_access}
    %mul3A_81 = arith.constant 4 : i32
    %mul3A_82 = arith.muli %arg1, %mul3A_81 : i32
    %add3A_83 = arith.constant 3 : i32
    %add3A_84 = arith.addi %add3A_83, %arg1 : i32
    %rem3A_85 = arith.constant 4 : i32
    %rem3A_86 = arith.remsi %add3A_84, %rem3A_85 : i32
    %add3A_87 = arith.addi %mul3A_82, %rem3A_86 : i32
    "tpu.region"() ({
      %run_scoped3A = tpu.sem_alloc : memref<!tpu.dma_semaphore, #tpu.memory_space<semaphore_mem>>
      %dma_start3A_107 = arith.constant 0 : i32
      %dma_start3A_108 = tpu.memref_slice %arg4[%add3A_87, %dma_start3A_107] : memref<64x100000xf32, #tpu.memory_space<hbm>> -> memref<1x100000xf32, #tpu.memory_space<hbm>>
      %dma_start3A_109 = tpu.memref_squeeze %dma_start3A_108 : memref<1x100000xf32, #tpu.memory_space<hbm>> -> memref<100000xf32, #tpu.memory_space<hbm>>
      %dma_start3A_110 = arith.constant 0 : i32
      %dma_start3A_111 = tpu.memref_slice %arg4[%add3A_87, %dma_start3A_110] : memref<64x100000xf32, #tpu.memory_space<hbm>> -> memref<1x100000xf32, #tpu.memory_space<hbm>>
      %dma_start3A_112 = tpu.memref_squeeze %dma_start3A_111 : memref<1x100000xf32, #tpu.memory_space<hbm>> -> memref<100000xf32, #tpu.memory_space<hbm>>
      tpu.enqueue_dma source(%dma_start3A_112 : memref<100000xf32, #tpu.memory_space<hbm>>) target(%arg8 : memref<100000xf32, #tpu.memory_space<vmem>>) target_semaphore(%run_scoped3A : memref<!tpu.dma_semaphore, #tpu.memory_space<semaphore_mem>>)
      %dma_wait3A_113 = arith.constant 0 : i32
      %dma_wait3A_114 = tpu.memref_slice %arg4[%add3A_87, %dma_wait3A_113] : memref<64x100000xf32, #tpu.memory_space<hbm>> -> memref<1x100000xf32, #tpu.memory_space<hbm>>
      %dma_wait3A_115 = tpu.memref_squeeze %dma_wait3A_114 : memref<1x100000xf32, #tpu.memory_space<hbm>> -> memref<100000xf32, #tpu.memory_space<hbm>>
      %dma_wait3A_116 = arith.constant 0 : i32
      %dma_wait3A_117 = tpu.memref_slice %arg4[%add3A_87, %dma_wait3A_116] : memref<64x100000xf32, #tpu.memory_space<hbm>> -> memref<1x100000xf32, #tpu.memory_space<hbm>>
      %dma_wait3A_118 = tpu.memref_squeeze %dma_wait3A_117 : memref<1x100000xf32, #tpu.memory_space<hbm>> -> memref<100000xf32, #tpu.memory_space<hbm>>
      tpu.wait_dma2 semaphore(%run_scoped3A : memref<!tpu.dma_semaphore, #tpu.memory_space<semaphore_mem>>) src(%dma_wait3A_118 : memref<100000xf32, #tpu.memory_space<hbm>>) dst(%arg8 : memref<100000xf32, #tpu.memory_space<vmem>>)
      tpu.yield
    }) : () -> ()
    %parallel_loop3A_88 = arith.constant 0 : i32
    %parallel_loop3A_89 = arith.constant 64 : i32
    %parallel_loop3A_90 = arith.constant 1 : i32
    scf.for %parallel_loop3A_107 = %parallel_loop3A_88 to %parallel_loop3A_89 step %parallel_loop3A_90  : i32 {
      %parallel_loop3A_108 = arith.constant 8 : i32
      %parallel_loop3A_109 = arith.muli %parallel_loop3A_107, %parallel_loop3A_108 : i32
      %parallel_loop3A_110 = arith.constant 0 : i32
      %parallel_loop3A_111 = arith.addi %parallel_loop3A_109, %parallel_loop3A_110 : i32
      %parallel_loop3A_112 = arith.constant 16 : i32
      %parallel_loop3A_113 = arith.muli %parallel_loop3A_111, %parallel_loop3A_112 : i32
      %parallel_loop3A_114 = arith.index_cast %parallel_loop3A_113 : i32 to index
      %parallel_loop3A_115 = tpu.vector_load %arg6[%parallel_loop3A_114] {strides = array<i32>} : memref<8192xi32, #tpu.memory_space<vmem>>, vector<16xi32>,
      %parallel_loop3A_116 = arith.index_cast %parallel_loop3A_113 : i32 to index
      %parallel_loop3A_117 = tpu.vector_load %arg7[%parallel_loop3A_116] {strides = array<i32>} : memref<8192xi32, #tpu.memory_space<vmem>>, vector<16xi32>,
      %parallel_loop3A_118 = tpu.vector_load_idx %arg8[%parallel_loop3A_115] : memref<100000xf32, #tpu.memory_space<vmem>>[vector<16xi32>], vector<16xf32>,
      %parallel_loop3A_119 = tpu.vector_load_idx %arg8[%parallel_loop3A_117] : memref<100000xf32, #tpu.memory_space<vmem>>[vector<16xi32>], vector<16xf32>,
      %parallel_loop3A_120 = arith.mulf %parallel_loop3A_118, %parallel_loop3A_119 : vector<16xf32>
      %parallel_loop3A_121 = arith.index_cast %parallel_loop3A_107 : i32 to index
      %parallel_loop3A_122 = arith.constant 0 : index
      %parallel_loop3A_123 = tpu.vector_load %arg9[%parallel_loop3A_121, %parallel_loop3A_122] {strides = array<i32>} : memref<64x128xf32, #tpu.memory_space<vmem>>, vector<16xf32>,
      tpu.vector_store %arg9[%parallel_loop3A_121, %parallel_loop3A_122], %parallel_loop3A_120 {add = true, strides = array<i32>} : memref<64x128xf32, #tpu.memory_space<vmem>>, vector<16xf32>,
      %parallel_loop3A_124 = arith.constant 8 : i32
      %parallel_loop3A_125 = arith.muli %parallel_loop3A_107, %parallel_loop3A_124 : i32
      %parallel_loop3A_126 = arith.constant 1 : i32
      %parallel_loop3A_127 = arith.addi %parallel_loop3A_125, %parallel_loop3A_126 : i32
      %parallel_loop3A_128 = arith.constant 16 : i32
      %parallel_loop3A_129 = arith.muli %parallel_loop3A_127, %parallel_loop3A_128 : i32
      %parallel_loop3A_130 = arith.index_cast %parallel_loop3A_129 : i32 to index
      %parallel_loop3A_131 = tpu.vector_load %arg6[%parallel_loop3A_130] {strides = array<i32>} : memref<8192xi32, #tpu.memory_space<vmem>>, vector<16xi32>,
      %parallel_loop3A_132 = arith.index_cast %parallel_loop3A_129 : i32 to index
      %parallel_loop3A_133 = tpu.vector_load %arg7[%parallel_loop3A_132] {strides = array<i32>} : memref<8192xi32, #tpu.memory_space<vmem>>, vector<16xi32>,
      %parallel_loop3A_134 = tpu.vector_load_idx %arg8[%parallel_loop3A_131] : memref<100000xf32, #tpu.memory_space<vmem>>[vector<16xi32>], vector<16xf32>,
      %parallel_loop3A_135 = tpu.vector_load_idx %arg8[%parallel_loop3A_133] : memref<100000xf32, #tpu.memory_space<vmem>>[vector<16xi32>], vector<16xf32>,
      %parallel_loop3A_136 = arith.mulf %parallel_loop3A_134, %parallel_loop3A_135 : vector<16xf32>
      %parallel_loop3A_137 = arith.index_cast %parallel_loop3A_107 : i32 to index
      %parallel_loop3A_138 = arith.constant 16 : index
      %parallel_loop3A_139 = tpu.vector_load %arg9[%parallel_loop3A_137, %parallel_loop3A_138] {strides = array<i32>} : memref<64x128xf32, #tpu.memory_space<vmem>>, vector<16xf32>,
      tpu.vector_store %arg9[%parallel_loop3A_137, %parallel_loop3A_138], %parallel_loop3A_136 {add = true, strides = array<i32>} : memref<64x128xf32, #tpu.memory_space<vmem>>, vector<16xf32>,
      %parallel_loop3A_140 = arith.constant 8 : i32
      %parallel_loop3A_141 = arith.muli %parallel_loop3A_107, %parallel_loop3A_140 : i32
      %parallel_loop3A_142 = arith.constant 2 : i32
      %parallel_loop3A_143 = arith.addi %parallel_loop3A_141, %parallel_loop3A_142 : i32
      %parallel_loop3A_144 = arith.constant 16 : i32
      %parallel_loop3A_145 = arith.muli %parallel_loop3A_143, %parallel_loop3A_144 : i32
      %parallel_loop3A_146 = arith.index_cast %parallel_loop3A_145 : i32 to index
      %parallel_loop3A_147 = tpu.vector_load %arg6[%parallel_loop3A_146] {strides = array<i32>} : memref<8192xi32, #tpu.memory_space<vmem>>, vector<16xi32>,
      %parallel_loop3A_148 = arith.index_cast %parallel_loop3A_145 : i32 to index
      %parallel_loop3A_149 = tpu.vector_load %arg7[%parallel_loop3A_148] {strides = array<i32>} : memref<8192xi32, #tpu.memory_space<vmem>>, vector<16xi32>,
      %parallel_loop3A_150 = tpu.vector_load_idx %arg8[%parallel_loop3A_147] : memref<100000xf32, #tpu.memory_space<vmem>>[vector<16xi32>], vector<16xf32>,
      %parallel_loop3A_151 = tpu.vector_load_idx %arg8[%parallel_loop3A_149] : memref<100000xf32, #tpu.memory_space<vmem>>[vector<16xi32>], vector<16xf32>,
      %parallel_loop3A_152 = arith.mulf %parallel_loop3A_150, %parallel_loop3A_151 : vector<16xf32>
      %parallel_loop3A_153 = arith.index_cast %parallel_loop3A_107 : i32 to index
      %parallel_loop3A_154 = arith.constant 32 : index
      %parallel_loop3A_155 = tpu.vector_load %arg9[%parallel_loop3A_153, %parallel_loop3A_154] {strides = array<i32>} : memref<64x128xf32, #tpu.memory_space<vmem>>, vector<16xf32>,
      tpu.vector_store %arg9[%parallel_loop3A_153, %parallel_loop3A_154], %parallel_loop3A_152 {add = true, strides = array<i32>} : memref<64x128xf32, #tpu.memory_space<vmem>>, vector<16xf32>,
      %parallel_loop3A_156 = arith.constant 8 : i32
      %parallel_loop3A_157 = arith.muli %parallel_loop3A_107, %parallel_loop3A_156 : i32
      %parallel_loop3A_158 = arith.constant 3 : i32
      %parallel_loop3A_159 = arith.addi %parallel_loop3A_157, %parallel_loop3A_158 : i32
      %parallel_loop3A_160 = arith.constant 16 : i32
      %parallel_loop3A_161 = arith.muli %parallel_loop3A_159, %parallel_loop3A_160 : i32
      %parallel_loop3A_162 = arith.index_cast %parallel_loop3A_161 : i32 to index
      %parallel_loop3A_163 = tpu.vector_load %arg6[%parallel_loop3A_162] {strides = array<i32>} : memref<8192xi32, #tpu.memory_space<vmem>>, vector<16xi32>,
      %parallel_loop3A_164 = arith.index_cast %parallel_loop3A_161 : i32 to index
      %parallel_loop3A_165 = tpu.vector_load %arg7[%parallel_loop3A_164] {strides = array<i32>} : memref<8192xi32, #tpu.memory_space<vmem>>, vector<16xi32>,
      %parallel_loop3A_166 = tpu.vector_load_idx %arg8[%parallel_loop3A_163] : memref<100000xf32, #tpu.memory_space<vmem>>[vector<16xi32>], vector<16xf32>,
      %parallel_loop3A_167 = tpu.vector_load_idx %arg8[%parallel_loop3A_165] : memref<100000xf32, #tpu.memory_space<vmem>>[vector<16xi32>], vector<16xf32>,
      %parallel_loop3A_168 = arith.mulf %parallel_loop3A_166, %parallel_loop3A_167 : vector<16xf32>
      %parallel_loop3A_169 = arith.index_cast %parallel_loop3A_107 : i32 to index
      %parallel_loop3A_170 = arith.constant 48 : index
      %parallel_loop3A_171 = tpu.vector_load %arg9[%parallel_loop3A_169, %parallel_loop3A_170] {strides = array<i32>} : memref<64x128xf32, #tpu.memory_space<vmem>>, vector<16xf32>,
      tpu.vector_store %arg9[%parallel_loop3A_169, %parallel_loop3A_170], %parallel_loop3A_168 {add = true, strides = array<i32>} : memref<64x128xf32, #tpu.memory_space<vmem>>, vector<16xf32>,
      %parallel_loop3A_172 = arith.constant 8 : i32
      %parallel_loop3A_173 = arith.muli %parallel_loop3A_107, %parallel_loop3A_172 : i32
      %parallel_loop3A_174 = arith.constant 4 : i32
      %parallel_loop3A_175 = arith.addi %parallel_loop3A_173, %parallel_loop3A_174 : i32
      %parallel_loop3A_176 = arith.constant 16 : i32
      %parallel_loop3A_177 = arith.muli %parallel_loop3A_175, %parallel_loop3A_176 : i32
      %parallel_loop3A_178 = arith.index_cast %parallel_loop3A_177 : i32 to index
      %parallel_loop3A_179 = tpu.vector_load %arg6[%parallel_loop3A_178] {strides = array<i32>} : memref<8192xi32, #tpu.memory_space<vmem>>, vector<16xi32>,
      %parallel_loop3A_180 = arith.index_cast %parallel_loop3A_177 : i32 to index
      %parallel_loop3A_181 = tpu.vector_load %arg7[%parallel_loop3A_180] {strides = array<i32>} : memref<8192xi32, #tpu.memory_space<vmem>>, vector<16xi32>,
      %parallel_loop3A_182 = tpu.vector_load_idx %arg8[%parallel_loop3A_179] : memref<100000xf32, #tpu.memory_space<vmem>>[vector<16xi32>], vector<16xf32>,
      %parallel_loop3A_183 = tpu.vector_load_idx %arg8[%parallel_loop3A_181] : memref<100000xf32, #tpu.memory_space<vmem>>[vector<16xi32>], vector<16xf32>,
      %parallel_loop3A_184 = arith.mulf %parallel_loop3A_182, %parallel_loop3A_183 : vector<16xf32>
      %parallel_loop3A_185 = arith.index_cast %parallel_loop3A_107 : i32 to index
      %parallel_loop3A_186 = arith.constant 64 : index
      %parallel_loop3A_187 = tpu.vector_load %arg9[%parallel_loop3A_185, %parallel_loop3A_186] {strides = array<i32>} : memref<64x128xf32, #tpu.memory_space<vmem>>, vector<16xf32>,
      tpu.vector_store %arg9[%parallel_loop3A_185, %parallel_loop3A_186], %parallel_loop3A_184 {add = true, strides = array<i32>} : memref<64x128xf32, #tpu.memory_space<vmem>>, vector<16xf32>,
      %parallel_loop3A_188 = arith.constant 8 : i32
      %parallel_loop3A_189 = arith.muli %parallel_loop3A_107, %parallel_loop3A_188 : i32
      %parallel_loop3A_190 = arith.constant 5 : i32
      %parallel_loop3A_191 = arith.addi %parallel_loop3A_189, %parallel_loop3A_190 : i32
      %parallel_loop3A_192 = arith.constant 16 : i32
      %parallel_loop3A_193 = arith.muli %parallel_loop3A_191, %parallel_loop3A_192 : i32
      %parallel_loop3A_194 = arith.index_cast %parallel_loop3A_193 : i32 to index
      %parallel_loop3A_195 = tpu.vector_load %arg6[%parallel_loop3A_194] {strides = array<i32>} : memref<8192xi32, #tpu.memory_space<vmem>>, vector<16xi32>,
      %parallel_loop3A_196 = arith.index_cast %parallel_loop3A_193 : i32 to index
      %parallel_loop3A_197 = tpu.vector_load %arg7[%parallel_loop3A_196] {strides = array<i32>} : memref<8192xi32, #tpu.memory_space<vmem>>, vector<16xi32>,
      %parallel_loop3A_198 = tpu.vector_load_idx %arg8[%parallel_loop3A_195] : memref<100000xf32, #tpu.memory_space<vmem>>[vector<16xi32>], vector<16xf32>,
      %parallel_loop3A_199 = tpu.vector_load_idx %arg8[%parallel_loop3A_197] : memref<100000xf32, #tpu.memory_space<vmem>>[vector<16xi32>], vector<16xf32>,
      %parallel_loop3A_200 = arith.mulf %parallel_loop3A_198, %parallel_loop3A_199 : vector<16xf32>
      %parallel_loop3A_201 = arith.index_cast %parallel_loop3A_107 : i32 to index
      %parallel_loop3A_202 = arith.constant 80 : index
      %parallel_loop3A_203 = tpu.vector_load %arg9[%parallel_loop3A_201, %parallel_loop3A_202] {strides = array<i32>} : memref<64x128xf32, #tpu.memory_space<vmem>>, vector<16xf32>,
      tpu.vector_store %arg9[%parallel_loop3A_201, %parallel_loop3A_202], %parallel_loop3A_200 {add = true, strides = array<i32>} : memref<64x128xf32, #tpu.memory_space<vmem>>, vector<16xf32>,
      %parallel_loop3A_204 = arith.constant 8 : i32
      %parallel_loop3A_205 = arith.muli %parallel_loop3A_107, %parallel_loop3A_204 : i32
      %parallel_loop3A_206 = arith.constant 6 : i32
      %parallel_loop3A_207 = arith.addi %parallel_loop3A_205, %parallel_loop3A_206 : i32
      %parallel_loop3A_208 = arith.constant 16 : i32
      %parallel_loop3A_209 = arith.muli %parallel_loop3A_207, %parallel_loop3A_208 : i32
      %parallel_loop3A_210 = arith.index_cast %parallel_loop3A_209 : i32 to index
      %parallel_loop3A_211 = tpu.vector_load %arg6[%parallel_loop3A_210] {strides = array<i32>} : memref<8192xi32, #tpu.memory_space<vmem>>, vector<16xi32>,
      %parallel_loop3A_212 = arith.index_cast %parallel_loop3A_209 : i32 to index
      %parallel_loop3A_213 = tpu.vector_load %arg7[%parallel_loop3A_212] {strides = array<i32>} : memref<8192xi32, #tpu.memory_space<vmem>>, vector<16xi32>,
      %parallel_loop3A_214 = tpu.vector_load_idx %arg8[%parallel_loop3A_211] : memref<100000xf32, #tpu.memory_space<vmem>>[vector<16xi32>], vector<16xf32>,
      %parallel_loop3A_215 = tpu.vector_load_idx %arg8[%parallel_loop3A_213] : memref<100000xf32, #tpu.memory_space<vmem>>[vector<16xi32>], vector<16xf32>,
      %parallel_loop3A_216 = arith.mulf %parallel_loop3A_214, %parallel_loop3A_215 : vector<16xf32>
      %parallel_loop3A_217 = arith.index_cast %parallel_loop3A_107 : i32 to index
      %parallel_loop3A_218 = arith.constant 96 : index
      %parallel_loop3A_219 = tpu.vector_load %arg9[%parallel_loop3A_217, %parallel_loop3A_218] {strides = array<i32>} : memref<64x128xf32, #tpu.memory_space<vmem>>, vector<16xf32>,
      tpu.vector_store %arg9[%parallel_loop3A_217, %parallel_loop3A_218], %parallel_loop3A_216 {add = true, strides = array<i32>} : memref<64x128xf32, #tpu.memory_space<vmem>>, vector<16xf32>,
      %parallel_loop3A_220 = arith.constant 8 : i32
      %parallel_loop3A_221 = arith.muli %parallel_loop3A_107, %parallel_loop3A_220 : i32
      %parallel_loop3A_222 = arith.constant 7 : i32
      %parallel_loop3A_223 = arith.addi %parallel_loop3A_221, %parallel_loop3A_222 : i32
      %parallel_loop3A_224 = arith.constant 16 : i32
      %parallel_loop3A_225 = arith.muli %parallel_loop3A_223, %parallel_loop3A_224 : i32
      %parallel_loop3A_226 = arith.index_cast %parallel_loop3A_225 : i32 to index
      %parallel_loop3A_227 = tpu.vector_load %arg6[%parallel_loop3A_226] {strides = array<i32>} : memref<8192xi32, #tpu.memory_space<vmem>>, vector<16xi32>,
      %parallel_loop3A_228 = arith.index_cast %parallel_loop3A_225 : i32 to index
      %parallel_loop3A_229 = tpu.vector_load %arg7[%parallel_loop3A_228] {strides = array<i32>} : memref<8192xi32, #tpu.memory_space<vmem>>, vector<16xi32>,
      %parallel_loop3A_230 = tpu.vector_load_idx %arg8[%parallel_loop3A_227] : memref<100000xf32, #tpu.memory_space<vmem>>[vector<16xi32>], vector<16xf32>,
      %parallel_loop3A_231 = tpu.vector_load_idx %arg8[%parallel_loop3A_229] : memref<100000xf32, #tpu.memory_space<vmem>>[vector<16xi32>], vector<16xf32>,
      %parallel_loop3A_232 = arith.mulf %parallel_loop3A_230, %parallel_loop3A_231 : vector<16xf32>
      %parallel_loop3A_233 = arith.index_cast %parallel_loop3A_107 : i32 to index
      %parallel_loop3A_234 = arith.constant 112 : index
      %parallel_loop3A_235 = tpu.vector_load %arg9[%parallel_loop3A_233, %parallel_loop3A_234] {strides = array<i32>} : memref<64x128xf32, #tpu.memory_space<vmem>>, vector<16xf32>,
      tpu.vector_store %arg9[%parallel_loop3A_233, %parallel_loop3A_234], %parallel_loop3A_232 {add = true, strides = array<i32>} : memref<64x128xf32, #tpu.memory_space<vmem>>, vector<16xf32>,
    } {sc.loop_unroll_factor = 2 : i64, sc.parallel_access}
    %eq3A_91 = arith.constant 0 : i32
    %eq3A_92 = arith.cmpi eq, %arg1, %eq3A_91 : i32
    %convert_element_type3A = arith.extui %eq3A_92 : i1 to i32
    %cond3A = arith.constant 0 : i32
    %cond3A_93 = arith.cmpi ne, %convert_element_type3A, %cond3A : i32
    scf.if %cond3A_93 {
      "tpu.region"() ({
        %run_scoped3A = tpu.sem_alloc : memref<!tpu.dma_semaphore, #tpu.memory_space<semaphore_mem>>
        tpu.enqueue_dma source(%arg9 : memref<64x128xf32, #tpu.memory_space<vmem>>) target(%arg11 : memref<64x128xf32, #tpu.memory_space<vmem_shared>>) target_semaphore(%run_scoped3A : memref<!tpu.dma_semaphore, #tpu.memory_space<semaphore_mem>>)
        tpu.wait_dma2 semaphore(%run_scoped3A : memref<!tpu.dma_semaphore, #tpu.memory_space<semaphore_mem>>) src(%arg9 : memref<64x128xf32, #tpu.memory_space<vmem>>) dst(%arg11 : memref<64x128xf32, #tpu.memory_space<vmem_shared>>)
        tpu.yield
      }) : () -> ()
    } else {
    }
    %barrier3A = arith.constant 0 : index
    tpu.barrier barrier_id(%barrier3A)
    %ne3A_94 = arith.constant 0 : i32
    %ne3A_95 = arith.cmpi ne, %arg1, %ne3A_94 : i32
    %convert_element_type3A_96 = arith.extui %ne3A_95 : i1 to i32
    %cond3A_97 = arith.constant 0 : i32
    %cond3A_98 = arith.cmpi ne, %convert_element_type3A_96, %cond3A_97 : i32
    scf.if %cond3A_98 {
      %dma_start3A_107 = arith.constant 0 : i32
      %dma_start3A_108 = arith.constant 0 : i32
      %dma_start3A_109 = tpu.memref_slice %arg11[%dma_start3A_107, %dma_start3A_108] : memref<64x128xf32, #tpu.memory_space<vmem_shared>> -> memref<64x128xf32, #tpu.memory_space<vmem_shared>>
      tpu.enqueue_indirect_dma source(%arg9 : memref<64x128xf32, #tpu.memory_space<vmem>>) target(%dma_start3A_109 : memref<64x128xf32, #tpu.memory_space<vmem_shared>>) offsets(%arg10 : memref<64xi32, #tpu.memory_space<vmem>>) semaphore(%arg12 : memref<!tpu.dma_semaphore, #tpu.memory_space<semaphore_mem>>) {add = true}
      %dma_wait3A_110 = arith.constant 0 : i32
      %dma_wait3A_111 = arith.constant 0 : i32
      %dma_wait3A_112 = tpu.memref_slice %arg11[%dma_wait3A_110, %dma_wait3A_111] : memref<64x128xf32, #tpu.memory_space<vmem_shared>> -> memref<64x128xf32, #tpu.memory_space<vmem_shared>>
      tpu.wait_indirect_dma semaphore(%arg12 : memref<!tpu.dma_semaphore, #tpu.memory_space<semaphore_mem>>) src(%arg9 : memref<64x128xf32, #tpu.memory_space<vmem>>) dst(%dma_wait3A_112 : memref<64x128xf32, #tpu.memory_space<vmem_shared>>)
    } else {
    }
    %barrier3A_99 = arith.constant 0 : index
    tpu.barrier barrier_id(%barrier3A_99)
    %mul3A_100 = arith.constant 4 : i32
    %mul3A_101 = arith.muli %arg1, %mul3A_100 : i32
    %mul3A_102 = arith.constant 64 : i32
    %mul3A_103 = arith.muli %arg0, %mul3A_102 : i32
    %mul3A_104 = arith.constant 4 : i32
    %mul3A_105 = arith.muli %arg1, %mul3A_104 : i32
    %add3A_106 = arith.addi %mul3A_103, %mul3A_105 : i32
    "tpu.region"() ({
      %run_scoped3A = tpu.sem_alloc : memref<!tpu.dma_semaphore, #tpu.memory_space<semaphore_mem>>
      %dma_start3A_107 = arith.constant 0 : i32
      %dma_start3A_108 = tpu.memref_slice %arg5[%add3A_106, %dma_start3A_107] : memref<128x128xf32, #tpu.memory_space<hbm>> -> memref<4x128xf32, #tpu.memory_space<hbm>>
      %dma_start3A_109 = arith.constant 0 : i32
      %dma_start3A_110 = tpu.memref_slice %arg11[%mul3A_101, %dma_start3A_109] : memref<64x128xf32, #tpu.memory_space<vmem_shared>> -> memref<4x128xf32, #tpu.memory_space<vmem_shared>>
      tpu.enqueue_dma source(%dma_start3A_110 : memref<4x128xf32, #tpu.memory_space<vmem_shared>>) target(%dma_start3A_108 : memref<4x128xf32, #tpu.memory_space<hbm>>) target_semaphore(%run_scoped3A : memref<!tpu.dma_semaphore, #tpu.memory_space<semaphore_mem>>)
      %dma_wait3A_111 = arith.constant 0 : i32
      %dma_wait3A_112 = tpu.memref_slice %arg5[%add3A_106, %dma_wait3A_111] : memref<128x128xf32, #tpu.memory_space<hbm>> -> memref<4x128xf32, #tpu.memory_space<hbm>>
      %dma_wait3A_113 = arith.constant 0 : i32
      %dma_wait3A_114 = tpu.memref_slice %arg11[%mul3A_101, %dma_wait3A_113] : memref<64x128xf32, #tpu.memory_space<vmem_shared>> -> memref<4x128xf32, #tpu.memory_space<vmem_shared>>
      tpu.wait_dma2 semaphore(%run_scoped3A : memref<!tpu.dma_semaphore, #tpu.memory_space<semaphore_mem>>) src(%dma_wait3A_114 : memref<4x128xf32, #tpu.memory_space<vmem_shared>>) dst(%dma_wait3A_112 : memref<4x128xf32, #tpu.memory_space<hbm>>)
      tpu.yield
    }) : () -> ()
    return
  }
}

</mosaic_0001>

<sc_bundles>
// kernel: kernel.3.cloned.1.call-start
scs
__scs_entry_jumppad:
0x0: {  	(pc) =	sbr.rel $0x88, $3  }
0x1: {  	(tag) =	ssettag $0x0;
	lr =	simm.s32 $0x1  }
0x2: {  	[smem:$0x3F9E] =	sst lr;
	_ =	strace $0xD0000000  }
0x3: {  	_ = 	snop  }
0x4: {  	_ = 	snop  }
0x5: {  	_ = 	snop  }
0x6: {  	_ = 	snop  }
0x7: {  	_ = 	snop  }
__scs_overlays_trampoline_lowered:
0x8: {  	[smem:$0x3FAD] =	sst s0  }
0x9: {  	[smem:$0x3FAE] =	sst s1  }
0xa: {  	[smem:$0x3FAF] =	sst s2  }
0xb: {  	[smem:$0x3FB0] =	sst s3  }
0xc: {  	[smem:$0x3FB1] =	sst s4  }
0xd: {  	[smem:$0x3FB2] =	sst s5  }
0xe: {  	[smem:$0x3FB3] =	sst s6  }
0xf: {  	[smem:$0x3FB4] =	sst s7  }
0x10: {  	[smem:$0x3FB5] =	sst s8  }
0x11: {  	[smem:$0x3FB6] =	sst s9;
	s0 =	simm.s32 @!p0 $0x0  }
0x12: {  	s1 =	sld [smem:$0x3F9C];
	s0 =	simm.s32 @p0 $0x1  }
0x13: {  	[smem:$0x3FB7] =	sst s0;
	s0 =	simm.s32 @!p1 $0x0  }
0x14: {  	s2 =	sld [smem:$0x3F9B];
	s0 =	simm.s32 @p1 $0x1  }
0x15: {  	[smem:$0x3FB8] =	sst s0;
	s0 =	simm.s32 @!p2 $0x0  }
0x16: {  	s3 =	sld [smem:$0x3FDB];
	s0 =	simm.s32 @p2 $0x1  }
0x17: {  	s4 =	simm.s32 $0x1BF5;
	[smem:$0x3FBA] =	sst s0  }
0x18: {  	s0 =	sld [smem:$0x3F9D];
	_ =	swait.ge [sflag:s4], $0x0  }
0x19: {  	s7 =	sld [smem:$0x3F9E]  }
0x1a: {  	s8 =	sadd.s32 $0xFFFFE003, lr  }
0x1b: {  	s9 =	sadd.s32 $0xFFFFFEF7, lr;
	s5 =	simm.s32 $0xFFFFFFFF;
	p2 =	slt.u32 s8, $0xFFFFF086  }
0x1c: {  	p1 =	slt.u32 s9, $0xF7A;
	s5 =	simm.s32 @!p2 $0x0  }
0x1d: {  	s5 =	simm.s32 @p1 $0x1;
	p0 =	seq.s32 s7, s2  }
0x1e: {  	s7 =	smul.u32 @!p0 $0xF7A, s2;
	p2 =	seq.s32 @!p0 s5, $0x0  }
0x1f: {  	s9 =	smul.u32 $0xF7A, s1;
	s8 =	simm.s32 @!p0 $0x1BF5;
	p2 =	por !p2, p0  }
0x20: {  	[sflag:s8] =	ssyncset.s32 @!p0 $0xFFFFF086;
	s6 =	sadd.s32 @!p0 s3, s7;
	s7 =	simm.s32 @!p0 $0x108  }
0x21: {  	s3 =	sadd.s32 s3, s9;
	s6 =	sadd.s32 @!p0 $0x88, s6;
	s7 =	simm.s32 @p2 $0x1082  }
0x22: {  	[simem:s7], [sflag:s8] =	dma.local @!p0 [hbm:s6], $0xF7A  }
0x23: {  	s9 =	sor.u32 $0xD0000000, s2;
	s6 =	simm.s32 $0x108;
	_ =	swait.ge @!p0 [sflag:s8], $0x0  }
0x24: {  	s3 =	sadd.s32 $0x88, s3;
	s6 =	simm.s32 @!p1 $0x1082;
	[sflag:s4] =	ssyncset.s32 $0xFFFFF086  }
0x25: {  	[simem:s6], [sflag:s4] =	dma.local [hbm:s3], $0xF7A  }
0x26: {  	[smem:$0x3F9E] =	sst s1;
	(tag) =	ssettag s2;
	_ =	strace s9  }
0x27: {  	s1 =	sld [smem:$0x3FAE]  }
0x28: {  	s2 =	sld [smem:$0x3FAF]  }
0x29: {  	s4 =	sld [smem:$0x3FB1]  }
0x2a: {  	p0 =	seq.s32 s5, $0x0;
	s5 =	sld [smem:$0x3FB2]  }
0x2b: {  	s6 =	sld [smem:$0x3FB3]  }
0x2c: {  	s7 =	sld [smem:$0x3FB4]  }
0x2d: {  	s3 =	simm.s32 $0x108;
	s8 =	sld [smem:$0x3FB5]  }
0x2e: {  	s3 =	simm.s32 @!p0 $0x1082;
	s9 =	sld [smem:$0x3FB6]  }
0x2f: {  	lr =	sadd.s32 s0, s3;
	s0 =	sld [smem:$0x3FAD]  }
0x30: {  	s3 =	sld [smem:$0x3FB0]  }
0x31: {  	[smem:$0x3FB9] =	sst s10  }
0x32: {  	s10 =	sld [smem:$0x3FB7];
	_ =	sdelay $0x3  }
0x33: {  	p0 =	seq.s32 s10, $0x1;
	s10 =	sld [smem:$0x3FB9];
	_ =	sdelay $0x3  }
0x34: {  	[smem:$0x3FB9] =	sst s10  }
0x35: {  	s10 =	sld [smem:$0x3FB8];
	_ =	sdelay $0x3  }
0x36: {  	p1 =	seq.s32 s10, $0x1;
	s10 =	sld [smem:$0x3FB9];
	_ =	sdelay $0x3  }
0x37: {  	[smem:$0x3FB9] =	sst s10  }
0x38: {  	s10 =	sld [smem:$0x3FBA]  }
0x39: {  	_ = 	snop;
	(pc) =	sbr.ind lr, $3  }
0x3a: {  	_ = 	snop  }
0x3b: {  	_ = 	snop  }
0x3c: {  	p2 =	seq.s32 s10, $0x1;
	s10 =	sld [smem:$0x3FB9]  }
0x3d: {  	_ =	shalt  }
0x3e: {  	_ =	shalt  }
0x3f: {  	_ =	shalt  }
0x40: {  	_ =	shalt  }
0x41: {  	_ =	shalt  }
0x42: {  	_ =	shalt  }
0x43: {  	_ =	shalt  }
0x44: {  	_ =	shalt  }
0x45: {  	_ =	shalt  }
0x46: {  	_ =	shalt  }
0x47: {  	_ =	shalt  }
0x48: {  	_ =	shalt  }
0x49: {  	_ =	shalt  }
0x4a: {  	_ =	shalt  }
0x4b: {  	_ =	shalt  }
0x4c: {  	_ =	shalt  }
0x4d: {  	_ =	shalt  }
0x4e: {  	_ =	shalt  }
0x4f: {  	_ =	shalt  }
0x50: {  	_ =	shalt  }
0x51: {  	_ =	shalt  }
0x52: {  	_ =	shalt  }
0x53: {  	_ =	shalt  }
0x54: {  	_ =	shalt  }
0x55: {  	_ =	shalt  }
0x56: {  	_ =	shalt  }
0x57: {  	_ =	shalt  }
0x58: {  	_ =	shalt  }
0x59: {  	_ =	shalt  }
0x5a: {  	_ =	shalt  }
0x5b: {  	_ =	shalt  }
0x5c: {  	_ =	shalt  }
0x5d: {  	_ =	shalt  }
0x5e: {  	_ =	shalt  }
0x5f: {  	_ =	shalt  }
0x60: {  	_ =	shalt  }
0x61: {  	_ =	shalt  }
0x62: {  	_ =	shalt  }
0x63: {  	_ =	shalt  }
0x64: {  	_ =	shalt  }
0x65: {  	_ =	shalt  }
0x66: {  	_ =	shalt  }
0x67: {  	_ =	shalt  }
0x68: {  	_ =	shalt  }
0x69: {  	_ =	shalt  }
0x6a: {  	_ =	shalt  }
0x6b: {  	_ =	shalt  }
0x6c: {  	_ =	shalt  }
0x6d: {  	_ =	shalt  }
0x6e: {  	_ =	shalt  }
0x6f: {  	_ =	shalt  }
0x70: {  	_ =	shalt  }
0x71: {  	_ =	shalt  }
0x72: {  	_ =	shalt  }
0x73: {  	_ =	shalt  }
0x74: {  	_ =	shalt  }
0x75: {  	_ =	shalt  }
0x76: {  	_ =	shalt  }
0x77: {  	_ =	shalt  }
0x78: {  	_ =	shalt  }
0x79: {  	_ =	shalt  }
0x7a: {  	_ =	shalt  }
0x7b: {  	_ =	shalt  }
0x7c: {  	_ =	shalt  }
0x7d: {  	_ =	shalt  }
0x7e: {  	_ =	shalt  }
0x7f: {  	_ =	shalt  }
0x80: {  	_ =	shalt  }
0x81: {  	_ =	shalt  }
0x82: {  	_ =	shalt  }
0x83: {  	_ =	shalt  }
0x84: {  	_ =	shalt  }
0x85: {  	_ =	shalt  }
0x86: {  	_ =	shalt  }
0x87: {  	_ =	shalt  }
.Lfunc_end0:
.L_simem_size_0:
called_computation_lowered:
.L_overlay_start_0:
0x88: {  	s2 =	sld [smem:$0x3FD9]  }
0x89: {  	s3 =	sld [smem:$0x3FFE];
	_ =	sdelay $0x1  }
0x8a: {  	s1 =	srdreg.scid  }
0x8b: {  	s0 =	sand.u32 $0x1, s1  }
0x8c: {  	s18 =	sshll.u32 s0, $0xA;
	s2 =	sadd.s32 s3, s2  }
0x8d: {  	s2 =	sadd.s32 s2, s18  }
0x8e: {  	[smem:$0x3FC5] =	sst s2  }
0x8f: {  	_ = 	snop  }
0x90: {  	s2 =	sld [smem:$0x3FC9]  }
0x91: {  	s19 =	sld [smem:$0x3FC8]  }
0x92: {  	s4 =	sld [smem:$0x3FC7]  }
0x93: {  	s5 =	sld [smem:$0x3FD0];
	(tm) =	ssettm $0x1  }
0x94: {  	s6 =	sld [smem:$0x3FFB];
	_ =	sdelay $0x3  }
0x95: {  	_ =	strace s6  }
0x96: {  	s6 =	sld [smem:$0x3FFC];
	_ =	sdelay $0x3  }
0x97: {  	_ =	strace s6  }
0x98: {  	s6 =	sld [smem:$0x3FFD];
	_ =	sdelay $0x3  }
0x99: {  	_ =	strace s6  }
0x9a: {  	_ =	strace $0x8FFFFFFF  }
0x9b: {  	s20 =	sld [smem:$0x3FDB];
	_ =	sdelay $0x1  }
0x9c: {  	s7 =	simm.s32 $_scs_section_size  }
0x9d: {  	s8 =	simm.s32 $_size__tile_overlayer_lowered;
	s9 =	simm.s32 $_tile_overlayer_lowered  }
0x9e: {  	s23 =	simm.s32 $0x1BFF;
	s22 =	sshll.u32 s9, $0x1;
	s6 =	sadd.s32 s7, s20  }
0x9f: {  	s10 =	simm.s32 $0x0;
	s21 =	sshll.u32 s8, $0x1;
	s8 =	sadd.s32 s22, s6  }
0xa0: {  	[timem:s10], [sflag:s23] =	dma.local [hbm:s8], s21  }
0xa1: {  	_ =	swait.ge [sflag:s23], s21  }
0xa2: {  	s7 =	ssub.s32 $0x0, s21;
	[sflag:s23] =	ssyncset.done $0x0  }
0xa3: {  	[sflag:s23] =	ssyncadd.s32 s7;
	_ =	sdelay $0x1  }
0xa4: {  	s24 =	simm.s32 $0x1B8B  }
0xa5: {  	_ =	swait.ge [sflag:s24], $0x1  }
0xa6: {  	[sflag:s24] =	ssyncset.done $0x0  }
0xa7: {  	s25 =	simm.s32 $0x1B8E;
	[sflag:s24] =	ssyncadd.s32 $0xFFFFFFFF  }
0xa8: {  	s26 =	simm.s32 $execute0_lowered;
	[smem:$0x3FD2] =	sst s25  }
0xa9: {  	s7 =	sshll.u32 s26, $0x1;
	_ =	strace $0x80000046;
	[dreg:$0x1] =	wrdreg $0xFFFFFFFF  }
0xaa: {  	s28 =	simm.s32 $_size_execute0_lowered;
	s6 =	sadd.s32 s6, s7;
	[dreg:$0x0] =	wrdreg $0x0  }
0xab: {  	s7 =	sshll.u32 s28, $0x1;
	[dreg:$0x2] =	wrdreg s6  }
0xac: {  	[dreg:$0x3] =	wrdreg s7  }
0xad: {  	[dreg:$0x4] =	wrdreg $0xC0  }
0xae: {  	_ =	task [dreg:s10], $0x5FFFF  }
0xaf: {  	[dreg:$0x1] =	wrdreg $0xFFFFFFFF  }
0xb0: {  	[dreg:$0x0] =	wrdreg $0x60  }
0xb1: {  	[dreg:$0x2] =	wrdreg s2  }
0xb2: {  	[dreg:$0x3] =	wrdreg s19  }
0xb3: {  	[dreg:$0x4] =	wrdreg s4  }
0xb4: {  	[dreg:$0x5] =	wrdreg s5  }
0xb5: {  	[dreg:$0x6] =	wrdreg $0x1E7800  }
0xb6: {  	[dreg:$0x7] =	wrdreg $0x9  }
0xb7: {  	_ =	task.clear_ibuf [dreg:s10], $0x8FFFF;
	_ =	strace $0x90000046  }
0xb8: {  	s29 =	simm.s32 $0x9;
	_ =	strace $0x80000048  }
0xb9: {  	_ =	swait.ge [sflag:s29], $0x1  }
0xba: {  	[sflag:s29] =	ssyncadd.s32 $0xFFFFFFFF  }
0xbb: {  	_ =	strace $0x90000048  }
0xbc: {  	_ =	sfence  }
0xbd: {  	s30 =	sld [smem:$0x0];
	_ =	sdelay $0x2  }
0xbe: {  	s31 =	sshll.u32 s1, $0xD;
	s1 =	sshrl.u32 s1, $0x2  }
0xbf: {  	s3 =	sand.u32 $0x4000, s31;
	s1 =	sadd.s32 s1, s30  }
0xc0: {  	s0 =	sor.u32 s3, s0;
	s1 =	sshll.u32 s1, $0x11  }
0xc1: {  	s0 =	sor.u32 s1, s0  }
0xc2: {  	s0 =	sadd.s32 $0x8F2B, s0  }
0xc3: {  	[sflag:s0] =	ssyncadd.remote.s32 $0x1  }
0xc4: {  	_ =	sfence.sel $0xFFFF  }
0xc5: {  	[dreg:$0x0] =	wrdreg $0xFFFFFFFF;
	(pc) =	sbr.abs _section_cstart, $3  }
0xc6: {  	[dreg:$0x1] =	wrdreg $0xFFFFFFFF  }
0xc7: {  	_ =	task.clear_ibuf [dreg:s10], $0x2FFFF;
	_ =	strace $0x9FFFFFFF  }
0xc8: {  	(tm) =	ssettm $0x7FFFFFFF  }
0xc9: {  	_ =	shalt  }
tec
execute0_lowered:
.L_overlay_start_1:
0x0: {  	(tag) =	ssettag $0x1  }
0x1: {  	s3 =	rddreg [dreg:$0x0]  }
0x2: {  	s4 =	rddreg [dreg:$0x1]  }
0x3: {  	s9 =	rddreg [dreg:$0x2]  }
0x4: {  	s10 =	rddreg [dreg:$0x3]  }
0x5: {  	s1 =	rddreg [dreg:$0x4]  }
0x6: {  	s0 =	rddreg [dreg:$0x5]  }
0x7: {  	s2 =	simm.s32 $0x0;
	s5 =	srdreg.scid;
	s18 =	stileid.u32  }
0x8: {  	s15 =	simm.s32 $0x1;
	s16 =	simm.s32 $0x80;
	s17 =	simm.s32 $0x2  }
0x9: {  	[smem:$0x7FF] =	sst s2;
	s5 =	sand.u32 $0x1, s5;
	s6 =	sshll.u32 s18, $0x2  }
0xa: {  	s7 =	sshrl.u32 s18, $0x1;
	s11 =	sand.u32 $0x3, s18;
	s26 =	sadd.s32 $0x1, s18  }
0xb: {  	s14 =	sadd.s32 $0xFFFFFFFF, s18;
	s31 =	sshll.u32 s18, $0x9;
	p0 =	sne.s32 s18, $0x0  }
0xc: {  	s8 =	sand.u32 $0x4, s6;
	s12 =	ssub.s32 $0x2, s5;
	s7 =	smul.u32 $0xC3800, s7  }
0xd: {  	_ =	strace $0x80000047;
	s24 =	sshll.u32 s5, $0xA;
	s14 =	sand.u32 $0x3, s14  }
0xe: {  	s19 =	sadd.s32 s31, s1;
	s8 =	sor.u32 s11, s8;
	s13 =	sshrl.u32 s12, $0x1  }
0xf: {  	s3 =	sadd.s32 s3, s24;
	s4 =	sadd.s32 s4, s24;
	s11 =	sor.u32 s6, s11  }
0x10: {  	s8 =	sshll.u32 s8, $0x7;
	s12 =	ssub.s32 s12, s13;
	s11 =	sshll.u32 s11, $0x7  }
0x11: {  	s13 =	simm.s32 $0x400;
	s25 =	sor.u32 s7, s8;
	s8 =	sand.u32 $0x3, s26  }
0x12: {  	s11 =	sand.u32 $0x380, s11;
	s5 =	sshrl.u32 s25, $0x3;
	s8 =	sor.u32 s6, s8  }
0x13: {  	s6 =	sor.u32 s6, s14;
	s11 =	sor.u32 s7, s11;
	s14 =	simm.s32 $0x4000  }
0x14: {  	s5 =	sadd.s32 s9, s5;
	s8 =	sshll.u32 s8, $0x7;
	s6 =	sshll.u32 s6, $0x7  }
0x15: {  	s11 =	sshrl.u32 s11, $0x3;
	s8 =	sand.u32 $0x380, s8;
	s28 =	sand.u32 $0x380, s6  }
0x16: {  	s29 =	sxor.u32 $0x20, s11;
	s8 =	sor.u32 s7, s8;
	s30 =	sor.u32 s7, s28  }
0x17: {  	s7 =	sadd.s32 s9, s29;
	s8 =	sshrl.u32 s8, $0x3;
	s11 =	sshrl.u32 s30, $0x3  }
0x18: {  	s6 =	sadd.s32 s9, s8;
	s8 =	sshll.u32 s18, $0x6;
	s9 =	sadd.s32 s9, s11  }
0x19: {  	v0 =	vlaneseq.u32;
	s11 =	smax.u32 s12, $0x1;
	s12 =	simm.s32 $0x2000;
	s10 =	sadd.s32 s10, s8  }
0x1a: {  	v1 =	vor.u32 $0x10, v0;
	v2 =	vor.u32 $0x20, v0;
	v3 =	vor.u32 $0x30, v0;
	s18 =	sshrl.u32 s19, $0x3;
	s19 =	simm.s32 $0x0;
	s10 =	sadd.s32 s24, s10  }
.LBB2_1:
0x1b: {  	[tilespmem:s2], [sflag:$0x1] =	stream.linear.gather [hbm4b:s3+s2], $0x2000, $0x38;
	[tilespmem:$0x1E980] =	vst v63  }
0x1c: {  	_ = 	snop  }
0x1d: {  	[tilespmem:s12], [sflag:$0x1] =	stream.linear.gather [hbm4b:s4+s2], $0x2000, $0x38;
	[tilespmem:$0x1E980] =	vst v63  }
0x1e: {  	_ = 	snop  }
0x1f: {  	[tilespmem:s14], [sflag:$0x1] =	stream.strided.gather [hbm4b:s5+s16], $0x18700, s13, s16, $0x38;
	[tilespmem:$0x1E980] =	vst v63  }
0x20: {  	[tilespmem:$0x1E700] =	vst v0  }
0x21: {  	[tilespmem:$0x1E710] =	vst v1  }
0x22: {  	[tilespmem:$0x1E720] =	vst v2  }
0x23: {  	[tilespmem:$0x1E730] =	vst v3  }
0x24: {  	_ =	swait.ge [sflag:s15], $0x2000  }
0x25: {  	[sflag:s15] =	ssyncset.done $0x0  }
0x26: {  	[sflag:s15] =	ssyncadd.s32 $0xFFFFE000  }
0x27: {  	_ =	swait.ge [sflag:s15], $0x2000  }
0x28: {  	[sflag:s15] =	ssyncset.done $0x0  }
0x29: {  	[sflag:s15] =	ssyncadd.s32 $0xFFFFE000  }
0x2a: {  	_ =	swait.ge [sflag:s15], $0x18700  }
0x2b: {  	[sflag:s15] =	ssyncset.done $0x0  }
0x2c: {  	[sflag:s15] =	ssyncadd.s32 $0xFFFE7900  }
0x2d: {  	s28 =	simm.s32 $0x2080;
	v4 =	vld [tilespmem:s16+$0x0]  }
0x2e: {  	v5 =	vld [tilespmem:s28+$0x0];
	_ =	sdelay $0x4  }
0x2f: {  	v6 =	vld [tilespmem:s16+$0xFFFFFF80]  }
0x30: {  	v7 =	vld [tilespmem:s28+$0xFFFFFF80]  }
0x31: {  	v4 =	vld.idx.msk [tilespmem:v4+s14+$0x0], $0xffff  }
0x32: {  	v5 =	vld.idx.msk [tilespmem:v5+s14+$0x0], $0xffff;
	_ =	sdelay $0x4  }
0x33: {  	v6 =	vld.idx.msk [tilespmem:v6+s14+$0x0], $0xffff;
	v4 =	vmul.f32 v5, v4  }
0x34: {  	s20 =	simm.s32 $0x1C780;
	v7 =	vld.idx.msk [tilespmem:v7+s14+$0x0], $0xffff  }
0x35: {  	[tilespmem:s20+$0x0] =	vst v4  }
0x36: {  	v4 =	vld [tilespmem:s16+$0x10]  }
0x37: {  	v5 =	vld [tilespmem:s28+$0x10];
	_ =	sdelay $0x1  }
0x38: {  	v6 =	vmul.f32 v7, v6;
	_ =	sdelay $0x1  }
0x39: {  	[tilespmem:s20+$0xFFFFFF80] =	vst v6  }
0x3a: {  	v6 =	vld [tilespmem:s16+$0xFFFFFF90]  }
0x3b: {  	v7 =	vld [tilespmem:s28+$0xFFFFFF90]  }
0x3c: {  	v4 =	vld.idx.msk [tilespmem:v4+s14+$0x0], $0xffff  }
0x3d: {  	v5 =	vld.idx.msk [tilespmem:v5+s14+$0x0], $0xffff;
	_ =	sdelay $0x4  }
0x3e: {  	v6 =	vld.idx.msk [tilespmem:v6+s14+$0x0], $0xffff;
	v4 =	vmul.f32 v5, v4  }
0x3f: {  	v7 =	vld.idx.msk [tilespmem:v7+s14+$0x0], $0xffff  }
0x40: {  	[tilespmem:s20+$0x10] =	vst v4  }
0x41: {  	v4 =	vld [tilespmem:s16+$0x20]  }
0x42: {  	v5 =	vld [tilespmem:s28+$0x20];
	_ =	sdelay $0x1  }
0x43: {  	v6 =	vmul.f32 v7, v6;
	_ =	sdelay $0x1  }
0x44: {  	[tilespmem:s20+$0xFFFFFF90] =	vst v6  }
0x45: {  	v6 =	vld [tilespmem:s16+$0xFFFFFFA0]  }
0x46: {  	v7 =	vld [tilespmem:s28+$0xFFFFFFA0]  }
0x47: {  	v4 =	vld.idx.msk [tilespmem:v4+s14+$0x0], $0xffff  }
0x48: {  	v5 =	vld.idx.msk [tilespmem:v5+s14+$0x0], $0xffff;
	_ =	sdelay $0x4  }
0x49: {  	v6 =	vld.idx.msk [tilespmem:v6+s14+$0x0], $0xffff;
	v4 =	vmul.f32 v5, v4  }
0x4a: {  	v7 =	vld.idx.msk [tilespmem:v7+s14+$0x0], $0xffff  }
0x4b: {  	[tilespmem:s20+$0x20] =	vst v4  }
0x4c: {  	v4 =	vld [tilespmem:s16+$0x30]  }
0x4d: {  	s22 =	simm.s32 $0x180;
	v5 =	vld [tilespmem:s28+$0x30]  }
0x4e: {  	s23 =	simm.s32 $0x2180;
	v8 =	vld [tilespmem:s22+$0x0]  }
0x4f: {  	v9 =	vld [tilespmem:s23+$0x0];
	v6 =	vmul.f32 v7, v6  }
0x50: {  	v10 =	vld [tilespmem:s22+$0xFFFFFF80]  }
0x51: {  	v11 =	vld [tilespmem:s23+$0xFFFFFF80];
	[tilespmem:s20+$0xFFFFFFA0] =	vst v6  }
0x52: {  	v6 =	vld [tilespmem:s16+$0xFFFFFFB0]  }
0x53: {  	v7 =	vld [tilespmem:s28+$0xFFFFFFB0]  }
0x54: {  	v4 =	vld.idx.msk [tilespmem:v4+s14+$0x0], $0xffff  }
0x55: {  	v5 =	vld.idx.msk [tilespmem:v5+s14+$0x0], $0xffff;
	_ =	sdelay $0x2  }
0x56: {  	v8 =	vld.idx.msk [tilespmem:v8+s14+$0x0], $0xffff  }
0x57: {  	v10 =	vld.idx.msk [tilespmem:v10+s14+$0x0], $0xffff  }
0x58: {  	v4 =	vmul.f32 v5, v4;
	v5 =	vld.idx.msk [tilespmem:v9+s14+$0x0], $0xffff  }
0x59: {  	v11 =	vld.idx.msk [tilespmem:v11+s14+$0x0], $0xffff  }
0x5a: {  	v6 =	vld.idx.msk [tilespmem:v6+s14+$0x0], $0xffff  }
0x5b: {  	v7 =	vld.idx.msk [tilespmem:v7+s14+$0x0], $0xffff;
	[tilespmem:s20+$0x30] =	vst v4  }
0x5c: {  	v4 =	vld [tilespmem:s16+$0x40]  }
0x5d: {  	v9 =	vld [tilespmem:s28+$0x40];
	v5 =	vmul.f32 v5, v8  }
0x5e: {  	s21 =	simm.s32 $0x1C880;
	s24 =	simm.s32 $0x280  }
0x5f: {  	v12 =	vld [tilespmem:s24+$0x0];
	v8 =	vmul.f32 v11, v10;
	[tilespmem:s21+$0x0] =	vst v5  }
0x60: {  	v5 =	vld [tilespmem:s22+$0x10]  }
0x61: {  	v6 =	vmul.f32 v7, v6;
	[tilespmem:s21+$0xFFFFFF80] =	vst v8;
	v7 =	vld [tilespmem:s23+$0x10]  }
0x62: {  	v8 =	vld [tilespmem:s22+$0xFFFFFF90]  }
0x63: {  	v10 =	vld [tilespmem:s23+$0xFFFFFF90]  }
0x64: {  	v4 =	vld.idx.msk [tilespmem:v4+s14+$0x0], $0xffff  }
0x65: {  	s26 =	simm.s32 $0x2280;
	[tilespmem:s20+$0xFFFFFFB0] =	vst v6;
	v6 =	vld.idx.msk [tilespmem:v9+s14+$0x0], $0xffff  }
0x66: {  	v13 =	vld [tilespmem:s26+$0x0]  }
0x67: {  	v11 =	vld [tilespmem:s28+$0xFFFFFFC0]  }
0x68: {  	v9 =	vld [tilespmem:s16+$0xFFFFFFC0]  }
0x69: {  	v5 =	vld.idx.msk [tilespmem:v5+s14+$0x0], $0xffff  }
0x6a: {  	v4 =	vmul.f32 v6, v4;
	v6 =	vld.idx.msk [tilespmem:v7+s14+$0x0], $0xffff  }
0x6b: {  	v8 =	vld.idx.msk [tilespmem:v8+s14+$0x0], $0xffff  }
0x6c: {  	v10 =	vld.idx.msk [tilespmem:v10+s14+$0x0], $0xffff;
	[tilespmem:s20+$0x40] =	vst v4  }
0x6d: {  	v4 =	vld [tilespmem:s16+$0x50]  }
0x6e: {  	v7 =	vld [tilespmem:s28+$0x50]  }
0x6f: {  	v14 =	vld [tilespmem:s26+$0xFFFFFF80];
	v5 =	vmul.f32 v6, v5  }
0x70: {  	v6 =	vld.idx.msk [tilespmem:v9+s14+$0x0], $0xffff  }
0x71: {  	v9 =	vld.idx.msk [tilespmem:v11+s14+$0x0], $0xffff;
	v8 =	vmul.f32 v10, v8;
	[tilespmem:s21+$0x10] =	vst v5  }
0x72: {  	v5 =	vld [tilespmem:s22+$0x20]  }
0x73: {  	[tilespmem:s21+$0xFFFFFF90] =	vst v8;
	v11 =	vld [tilespmem:s23+$0x20]  }
0x74: {  	v8 =	vld [tilespmem:s22+$0xFFFFFFA0]  }
0x75: {  	v4 =	vld.idx.msk [tilespmem:v4+s14+$0x0], $0xffff  }
0x76: {  	v6 =	vmul.f32 v9, v6;
	v7 =	vld.idx.msk [tilespmem:v7+s14+$0x0], $0xffff  }
0x77: {  	v12 =	vld.idx.msk [tilespmem:v12+s14+$0x0], $0xffff  }
0x78: {  	[tilespmem:s20+$0xFFFFFFC0] =	vst v6;
	v6 =	vld [tilespmem:s23+$0xFFFFFFA0]  }
0x79: {  	v9 =	vld [tilespmem:s16+$0xFFFFFFD0]  }
0x7a: {  	v10 =	vld [tilespmem:s28+$0xFFFFFFD0]  }
0x7b: {  	v5 =	vld.idx.msk [tilespmem:v5+s14+$0x0], $0xffff;
	v4 =	vmul.f32 v7, v4  }
0x7c: {  	v7 =	vld.idx.msk [tilespmem:v11+s14+$0x0], $0xffff  }
0x7d: {  	v8 =	vld.idx.msk [tilespmem:v8+s14+$0x0], $0xffff;
	[tilespmem:s20+$0x50] =	vst v4  }
0x7e: {  	v4 =	vld [tilespmem:s16+$0x60]  }
0x7f: {  	v11 =	vld [tilespmem:s28+$0x60]  }
0x80: {  	v6 =	vld.idx.msk [tilespmem:v6+s14+$0x0], $0xffff  }
0x81: {  	v13 =	vld.idx.msk [tilespmem:v13+s14+$0x0], $0xffff;
	v5 =	vmul.f32 v7, v5  }
0x82: {  	v7 =	vld.idx.msk [tilespmem:v9+s14+$0x0], $0xffff  }
0x83: {  	v10 =	vld.idx.msk [tilespmem:v10+s14+$0x0], $0xffff;
	[tilespmem:s21+$0x20] =	vst v5  }
0x84: {  	v5 =	vld [tilespmem:s22+$0x30]  }
0x85: {  	v9 =	vld [tilespmem:s23+$0x30];
	v6 =	vmul.f32 v6, v8  }
0x86: {  	v4 =	vld.idx.msk [tilespmem:v4+s14+$0x0], $0xffff  }
0x87: {  	v8 =	vld.idx.msk [tilespmem:v11+s14+$0x0], $0xffff;
	[tilespmem:s21+$0xFFFFFFA0] =	vst v6  }
0x88: {  	v12 =	vmul.f32 v13, v12;
	v6 =	vld [tilespmem:s22+$0xFFFFFFB0]  }
0x89: {  	s25 =	simm.s32 $0x1C980;
	v11 =	vld [tilespmem:s23+$0xFFFFFFB0]  }
0x8a: {  	v15 =	vld [tilespmem:s24+$0xFFFFFF80];
	[tilespmem:s25+$0x0] =	vst v12  }
0x8b: {  	v53 =	vld [tilespmem:s24+$0x10]  }
0x8c: {  	v4 =	vmul.f32 v8, v4;
	v5 =	vld.idx.msk [tilespmem:v5+s14+$0x0], $0xffff  }
0x8d: {  	v8 =	vld.idx.msk [tilespmem:v9+s14+$0x0], $0xffff  }
0x8e: {  	v7 =	vmul.f32 v10, v7;
	v10 =	vld [tilespmem:s26+$0x10];
	[tilespmem:s20+$0x60] =	vst v4  }
0x8f: {  	v9 =	vld [tilespmem:s28+$0x70]  }
0x90: {  	v6 =	vld.idx.msk [tilespmem:v6+s14+$0x0], $0xffff  }
0x91: {  	v11 =	vld.idx.msk [tilespmem:v11+s14+$0x0], $0xffff  }
0x92: {  	v5 =	vmul.f32 v8, v5  }
0x93: {  	v14 =	vld.idx.msk [tilespmem:v14+s14+$0x0], $0xffff  }
0x94: {  	v13 =	vld.idx.msk [tilespmem:v53+s14+$0x0], $0xffff;
	[tilespmem:s21+$0x30] =	vst v5  }
0x95: {  	v8 =	vld [tilespmem:s22+$0x40]  }
0x96: {  	v6 =	vmul.f32 v11, v6;
	v11 =	vld.idx.msk [tilespmem:v15+s14+$0x0], $0xffff  }
0x97: {  	v5 =	vld.idx.msk [tilespmem:v9+s14+$0x0], $0xffff  }
0x98: {  	v9 =	vld [tilespmem:s23+$0x40]  }
0x99: {  	v10 =	vld.idx.msk [tilespmem:v10+s14+$0x0], $0xffff  }
0x9a: {  	v4 =	vld [tilespmem:s16+$0x70];
	[tilespmem:s21+$0xFFFFFFB0] =	vst v6  }
0x9b: {  	v6 =	vld [tilespmem:s22+$0xFFFFFFC0]  }
0x9c: {  	[tilespmem:s20+$0xFFFFFFD0] =	vst v7;
	v52 =	vld [tilespmem:s23+$0xFFFFFFC0]  }
0x9d: {  	v7 =	vmul.f32 v14, v11;
	v11 =	vld [tilespmem:s16+$0xFFFFFFE0]  }
0x9e: {  	v10 =	vmul.f32 v10, v13;
	v8 =	vld.idx.msk [tilespmem:v8+s14+$0x0], $0xffff  }
0x9f: {  	[tilespmem:s25+$0xFFFFFF80] =	vst v7;
	v7 =	vld [tilespmem:s28+$0xFFFFFFE0]  }
0xa0: {  	[tilespmem:s25+$0x10] =	vst v10;
	v9 =	vld.idx.msk [tilespmem:v9+s14+$0x0], $0xffff  }
0xa1: {  	v10 =	vld [tilespmem:s24+$0x20]  }
0xa2: {  	v54 =	vld [tilespmem:s24+$0xFFFFFF90]  }
0xa3: {  	v55 =	vld [tilespmem:s26+$0xFFFFFF90]  }
0xa4: {  	v6 =	vld.idx.msk [tilespmem:v6+s14+$0x0], $0xffff  }
0xa5: {  	v11 =	vld.idx.msk [tilespmem:v11+s14+$0x0], $0xffff;
	v8 =	vmul.f32 v9, v8  }
0xa6: {  	v9 =	vld.idx.msk [tilespmem:v52+s14+$0x0], $0xffff  }
0xa7: {  	v7 =	vld.idx.msk [tilespmem:v7+s14+$0x0], $0xffff;
	[tilespmem:s21+$0x40] =	vst v8  }
0xa8: {  	v8 =	vld [tilespmem:s22+$0x50]  }
0xa9: {  	v56 =	vld [tilespmem:s23+$0x50]  }
0xaa: {  	v14 =	vld.idx.msk [tilespmem:v54+s14+$0x0], $0xffff  }
0xab: {  	v15 =	vld.idx.msk [tilespmem:v55+s14+$0x0], $0xffff  }
0xac: {  	v4 =	vld.idx.msk [tilespmem:v4+s14+$0x0], $0xffff;
	v7 =	vmul.f32 v7, v11  }
0xad: {  	v10 =	vld.idx.msk [tilespmem:v10+s14+$0x0], $0xffff  }
0xae: {  	v6 =	vmul.f32 v9, v6;
	v9 =	vld [tilespmem:s26+$0x20];
	[tilespmem:s20+$0xFFFFFFE0] =	vst v7  }
0xaf: {  	v59 =	vld [tilespmem:s16+$0xFFFFFFF0]  }
0xb0: {  	[tilespmem:s21+$0xFFFFFFC0] =	vst v6;
	v6 =	vmul.f32 v15, v14;
	v8 =	vld.idx.msk [tilespmem:v8+s14+$0x0], $0xffff  }
0xb1: {  	v12 =	vld.idx.msk [tilespmem:v56+s14+$0x0], $0xffff  }
0xb2: {  	v57 =	vld [tilespmem:s22+$0xFFFFFFD0];
	[tilespmem:s25+$0xFFFFFF90] =	vst v6  }
0xb3: {  	v58 =	vld [tilespmem:s24+$0xFFFFFFA0]  }
0xb4: {  	v11 =	vld [tilespmem:s26+$0xFFFFFFA0]  }
0xb5: {  	v6 =	vld [tilespmem:s23+$0xFFFFFFD0]  }
0xb6: {  	v60 =	vld [tilespmem:s28+$0xFFFFFFF0];
	v8 =	vmul.f32 v12, v8  }
0xb7: {  	v7 =	vld.idx.msk [tilespmem:v9+s14+$0x0], $0xffff  }
0xb8: {  	v62 =	vmul.f32 v5, v4;
	v4 =	vld.idx.msk [tilespmem:v59+s14+$0x0], $0xffff;
	[tilespmem:s21+$0x50] =	vst v8  }
0xb9: {  	v16 =	vld [tilespmem:s22+$0x60]  }
0xba: {  	v17 =	vld [tilespmem:s23+$0x60]  }
0xbb: {  	v14 =	vld.idx.msk [tilespmem:v58+s14+$0x0], $0xffff  }
0xbc: {  	v11 =	vld.idx.msk [tilespmem:v11+s14+$0x0], $0xffff;
	v7 =	vmul.f32 v7, v10  }
0xbd: {  	v61 =	vld.idx.msk [tilespmem:v6+s14+$0x0], $0xffff  }
0xbe: {  	v10 =	vld.idx.msk [tilespmem:v57+s14+$0x0], $0xffff;
	[tilespmem:s25+$0x20] =	vst v7  }
0xbf: {  	v8 =	vld [tilespmem:s24+$0x30]  }
0xc0: {  	v9 =	vld [tilespmem:s26+$0x30]  }
0xc1: {  	v11 =	vmul.f32 v11, v14;
	v6 =	vld.idx.msk [tilespmem:v16+s14+$0x0], $0xffff  }
0xc2: {  	v7 =	vld.idx.msk [tilespmem:v17+s14+$0x0], $0xffff  }
0xc3: {  	v5 =	vld.idx.msk [tilespmem:v60+s14+$0x0], $0xffff;
	v63 =	vmul.f32 v61, v10;
	[tilespmem:s25+$0xFFFFFFA0] =	vst v11  }
0xc4: {  	[tilespmem:s20+$0x70] =	vst v62;
	v10 =	vld [tilespmem:s24+$0xFFFFFFB0]  }
0xc5: {  	s29 =	simm.s32 $0x4;
	s30 =	simm.s32 $0x380;
	s28 =	simm.s32 $0x2280;
	[tilespmem:s21+$0xFFFFFFD0] =	vst v63;
	v11 =	vld [tilespmem:s26+$0xFFFFFFB0]  }
.LBB2_2:
0xc6: {  	v12 =	vld [tilespmem:s30+$0x0];
	s26 =	sadd.s32 $0x100, s26  }
0xc7: {  	v6 =	vmul.f32 v7, v6;
	v13 =	vld [tilespmem:s26+$0x0]  }
0xc8: {  	v7 =	vld.idx.msk [tilespmem:v8+s14+$0x0], $0xffff  }
0xc9: {  	v4 =	vmul.f32 v5, v4;
	v8 =	vld.idx.msk [tilespmem:v9+s14+$0x0], $0xffff;
	[tilespmem:s21+$0x60] =	vst v6  }
0xca: {  	v5 =	vld [tilespmem:s22+$0x70]  }
0xcb: {  	v6 =	vld [tilespmem:s23+$0x70];
	[tilespmem:s20+$0xFFFFFFF0] =	vst v4;
	s20 =	smov.u32 s21;
	s21 =	smov.u32 s25  }
0xcc: {  	v4 =	vld [tilespmem:s26+$0xFFFFFF80]  }
0xcd: {  	v9 =	vld [tilespmem:s30+$0xFFFFFF80]  }
0xce: {  	v10 =	vld.idx.msk [tilespmem:v10+s14+$0x0], $0xffff  }
0xcf: {  	v11 =	vld.idx.msk [tilespmem:v11+s14+$0x0], $0xffff  }
0xd0: {  	v12 =	vld.idx.msk [tilespmem:v12+s14+$0x0], $0xffff  }
0xd1: {  	v7 =	vmul.f32 v8, v7;
	v13 =	vld.idx.msk [tilespmem:v13+s14+$0x0], $0xffff  }
0xd2: {  	v5 =	vld.idx.msk [tilespmem:v5+s14+$0x0], $0xffff  }
0xd3: {  	[tilespmem:s25+$0x30] =	vst v7;
	v6 =	vld.idx.msk [tilespmem:v6+s14+$0x0], $0xffff  }
0xd4: {  	s29 =	sadd.s32 $0x2, s29;
	v7 =	vld [tilespmem:s24+$0x40]  }
0xd5: {  	p1 =	slt.u32 s29, $0x3E;
	v8 =	vmul.f32 v11, v10;
	v10 =	vld [tilespmem:s28+$0x40]  }
0xd6: {  	v9 =	vld.idx.msk [tilespmem:v9+s14+$0x0], $0xffff  }
0xd7: {  	v11 =	vmul.f32 v13, v12;
	v4 =	vld.idx.msk [tilespmem:v4+s14+$0x0], $0xffff;
	[tilespmem:s25+$0xFFFFFFB0] =	vst v8  }
0xd8: {  	s25 =	sadd.s32 $0x100, s25;
	v8 =	vld [tilespmem:s24+$0xFFFFFFC0]  }
0xd9: {  	v5 =	vmul.f32 v6, v5;
	[tilespmem:s25+$0x0] =	vst v11;
	v11 =	vld [tilespmem:s28+$0xFFFFFFC0]  }
0xda: {  	v6 =	vld [tilespmem:s30+$0x10]  }
0xdb: {  	v12 =	vld [tilespmem:s26+$0x10];
	[tilespmem:s20+$0x70] =	vst v5  }
0xdc: {  	v5 =	vld.idx.msk [tilespmem:v7+s14+$0x0], $0xffff  }
0xdd: {  	v4 =	vmul.f32 v4, v9;
	v7 =	vld.idx.msk [tilespmem:v10+s14+$0x0], $0xffff  }
0xde: {  	v9 =	vld [tilespmem:s22+$0xFFFFFFE0]  }
0xdf: {  	[tilespmem:s25+$0xFFFFFF80] =	vst v4;
	v4 =	vld [tilespmem:s23+$0xFFFFFFE0]  }
0xe0: {  	v10 =	vld [tilespmem:s30+$0xFFFFFF90]  }
0xe1: {  	v13 =	vld [tilespmem:s26+$0xFFFFFF90]  }
0xe2: {  	v6 =	vld.idx.msk [tilespmem:v6+s14+$0x0], $0xffff  }
0xe3: {  	v5 =	vmul.f32 v7, v5;
	v12 =	vld.idx.msk [tilespmem:v12+s14+$0x0], $0xffff  }
0xe4: {  	v7 =	vld.idx.msk [tilespmem:v8+s14+$0x0], $0xffff  }
0xe5: {  	v8 =	vld.idx.msk [tilespmem:v11+s14+$0x0], $0xffff;
	[tilespmem:s21+$0x40] =	vst v5  }
0xe6: {  	v5 =	vld [tilespmem:s24+$0x50]  }
0xe7: {  	v11 =	vld [tilespmem:s28+$0x50]  }
0xe8: {  	v10 =	vld.idx.msk [tilespmem:v10+s14+$0x0], $0xffff  }
0xe9: {  	v6 =	vmul.f32 v12, v6;
	v13 =	vld.idx.msk [tilespmem:v13+s14+$0x0], $0xffff  }
0xea: {  	v9 =	vld.idx.msk [tilespmem:v9+s14+$0x0], $0xffff  }
0xeb: {  	[tilespmem:s25+$0x10] =	vst v6;
	v6 =	vmul.f32 v8, v7;
	v4 =	vld.idx.msk [tilespmem:v4+s14+$0x0], $0xffff  }
0xec: {  	v7 =	vld [tilespmem:s30+$0x20]  }
0xed: {  	v8 =	vld [tilespmem:s26+$0x20];
	[tilespmem:s21+$0xFFFFFFC0] =	vst v6  }
0xee: {  	v5 =	vld.idx.msk [tilespmem:v5+s14+$0x0], $0xffff  }
0xef: {  	v6 =	vmul.f32 v13, v10;
	v10 =	vld.idx.msk [tilespmem:v11+s14+$0x0], $0xffff  }
0xf0: {  	v11 =	vld [tilespmem:s24+$0xFFFFFFD0]  }
0xf1: {  	v4 =	vmul.f32 v4, v9;
	[tilespmem:s25+$0xFFFFFF90] =	vst v6;
	v6 =	vld [tilespmem:s28+$0xFFFFFFD0]  }
0xf2: {  	v9 =	vld [tilespmem:s30+$0xFFFFFFA0]  }
0xf3: {  	v12 =	vld [tilespmem:s26+$0xFFFFFFA0];
	[tilespmem:s20+$0xFFFFFFE0] =	vst v4  }
0xf4: {  	v4 =	vld.idx.msk [tilespmem:v7+s14+$0x0], $0xffff  }
0xf5: {  	v5 =	vmul.f32 v10, v5;
	v7 =	vld.idx.msk [tilespmem:v8+s14+$0x0], $0xffff  }
0xf6: {  	v10 =	vld [tilespmem:s22+$0xFFFFFFF0];
	s22 =	smov.u32 s24;
	s24 =	smov.u32 s30  }
0xf7: {  	[tilespmem:s21+$0x50] =	vst v5;
	v5 =	vld [tilespmem:s23+$0xFFFFFFF0];
	s23 =	smov.u32 s28;
	s28 =	smov.u32 s26  }
0xf8: {  	v13 =	vld [tilespmem:s22+$0x60]  }
0xf9: {  	v14 =	vld [tilespmem:s23+$0x60]  }
0xfa: {  	v15 =	vld.idx.msk [tilespmem:v9+s14+$0x0], $0xffff  }
0xfb: {  	v4 =	vmul.f32 v7, v4;
	v12 =	vld.idx.msk [tilespmem:v12+s14+$0x0], $0xffff  }
0xfc: {  	v11 =	vld.idx.msk [tilespmem:v11+s14+$0x0], $0xffff  }
0xfd: {  	[tilespmem:s25+$0x20] =	vst v4;
	v16 =	vld.idx.msk [tilespmem:v6+s14+$0x0], $0xffff  }
0xfe: {  	v8 =	vld [tilespmem:s30+$0x30]  }
0xff: {  	v9 =	vld [tilespmem:s26+$0x30]  }
0x100: {  	v6 =	vld.idx.msk [tilespmem:v13+s14+$0x0], $0xffff  }
.Ltmp0:
0x101: {  	v12 =	vmul.f32 v12, v15;
	v7 =	vld.idx.msk [tilespmem:v14+s14+$0x0], $0xffff;
	(pc) =	sbr.rel @p1 .LBB2_2-.Ltmp0, $4  }
0x102: {  	v4 =	vld.idx.msk [tilespmem:v10+s14+$0x0], $0xffff  }
0x103: {  	[tilespmem:s25+$0xFFFFFFA0] =	vst v12;
	v12 =	vmul.f32 v16, v11;
	v5 =	vld.idx.msk [tilespmem:v5+s14+$0x0], $0xffff  }
0x104: {  	v10 =	vld [tilespmem:s30+$0xFFFFFFB0]  }
0x105: {  	s30 =	sadd.s32 $0x100, s30;
	v11 =	vld [tilespmem:s26+$0xFFFFFFB0];
	[tilespmem:s21+$0xFFFFFFD0] =	vst v12  }
0x106: {  	_ =	sdelay $0x4  }
0x107: {  	v8 =	vld.idx.msk [tilespmem:v8+s14+$0x0], $0xffff  }
0x108: {  	v9 =	vld.idx.msk [tilespmem:v9+s14+$0x0], $0xffff  }
0x109: {  	v10 =	vld.idx.msk [tilespmem:v10+s14+$0x0], $0xffff  }
0x10a: {  	v11 =	vld.idx.msk [tilespmem:v11+s14+$0x0], $0xffff;
	_ =	sdelay $0x2  }
0x10b: {  	v8 =	vmul.f32 v9, v8;
	_ =	sdelay $0x1  }
0x10c: {  	[tilespmem:s25+$0x30] =	vst v8;
	v8 =	vmul.f32 v11, v10  }
0x10d: {  	v9 =	vld [tilespmem:s24+$0x40]  }
0x10e: {  	v10 =	vld [tilespmem:s28+$0x40];
	[tilespmem:s25+$0xFFFFFFB0] =	vst v8  }
0x10f: {  	v8 =	vld [tilespmem:s24+$0xFFFFFFC0]  }
0x110: {  	v11 =	vld [tilespmem:s28+$0xFFFFFFC0];
	_ =	sdelay $0x4  }
0x111: {  	v9 =	vld.idx.msk [tilespmem:v9+s14+$0x0], $0xffff  }
0x112: {  	v10 =	vld.idx.msk [tilespmem:v10+s14+$0x0], $0xffff  }
0x113: {  	v8 =	vld.idx.msk [tilespmem:v8+s14+$0x0], $0xffff  }
0x114: {  	v11 =	vld.idx.msk [tilespmem:v11+s14+$0x0], $0xffff;
	_ =	sdelay $0x2  }
0x115: {  	v9 =	vmul.f32 v10, v9;
	_ =	sdelay $0x1  }
0x116: {  	[tilespmem:s25+$0x40] =	vst v9;
	v8 =	vmul.f32 v11, v8  }
0x117: {  	v9 =	vld [tilespmem:s24+$0x50]  }
0x118: {  	v10 =	vld [tilespmem:s28+$0x50];
	[tilespmem:s25+$0xFFFFFFC0] =	vst v8  }
0x119: {  	v8 =	vld [tilespmem:s24+$0xFFFFFFD0]  }
0x11a: {  	v11 =	vld [tilespmem:s28+$0xFFFFFFD0];
	_ =	sdelay $0x4  }
0x11b: {  	v9 =	vld.idx.msk [tilespmem:v9+s14+$0x0], $0xffff  }
0x11c: {  	v10 =	vld.idx.msk [tilespmem:v10+s14+$0x0], $0xffff  }
0x11d: {  	v8 =	vld.idx.msk [tilespmem:v8+s14+$0x0], $0xffff  }
0x11e: {  	v11 =	vld.idx.msk [tilespmem:v11+s14+$0x0], $0xffff;
	_ =	sdelay $0x2  }
0x11f: {  	v9 =	vmul.f32 v10, v9  }
0x120: {  	v12 =	vld [tilespmem:s23+$0xFFFFFFE0]  }
0x121: {  	v10 =	vld [tilespmem:s22+$0xFFFFFFE0];
	[tilespmem:s25+$0x50] =	vst v9;
	v8 =	vmul.f32 v11, v8  }
0x122: {  	v9 =	vld [tilespmem:s24+$0x60]  }
0x123: {  	v11 =	vld [tilespmem:s28+$0x60];
	[tilespmem:s25+$0xFFFFFFD0] =	vst v8  }
0x124: {  	v8 =	vld [tilespmem:s24+$0xFFFFFFE0]  }
0x125: {  	v13 =	vld [tilespmem:s28+$0xFFFFFFE0];
	_ =	sdelay $0x2  }
0x126: {  	v12 =	vld.idx.msk [tilespmem:v12+s14+$0x0], $0xffff  }
0x127: {  	v10 =	vld.idx.msk [tilespmem:v10+s14+$0x0], $0xffff  }
0x128: {  	v9 =	vld.idx.msk [tilespmem:v9+s14+$0x0], $0xffff  }
0x129: {  	v11 =	vld.idx.msk [tilespmem:v11+s14+$0x0], $0xffff  }
0x12a: {  	v6 =	vmul.f32 v7, v6;
	v7 =	vld.idx.msk [tilespmem:v8+s14+$0x0], $0xffff  }
0x12b: {  	v8 =	vld.idx.msk [tilespmem:v13+s14+$0x0], $0xffff  }
0x12c: {  	[tilespmem:s21+$0x60] =	vst v6;
	v6 =	vmul.f32 v12, v10  }
0x12d: {  	v10 =	vld [tilespmem:s22+$0x70]  }
0x12e: {  	v12 =	vld [tilespmem:s23+$0x70];
	[tilespmem:s21+$0xFFFFFFE0] =	vst v6;
	v6 =	vmul.f32 v11, v9  }
0x12f: {  	v9 =	vld [tilespmem:s22+$0xFFFFFFF0]  }
0x130: {  	v11 =	vld [tilespmem:s23+$0xFFFFFFF0];
	[tilespmem:s25+$0x60] =	vst v6;
	v6 =	vmul.f32 v8, v7  }
0x131: {  	v7 =	vld [tilespmem:s24+$0x70]  }
0x132: {  	v8 =	vld [tilespmem:s28+$0x70];
	[tilespmem:s25+$0xFFFFFFE0] =	vst v6  }
0x133: {  	v6 =	vld [tilespmem:s24+$0xFFFFFFF0]  }
0x134: {  	v13 =	vld [tilespmem:s28+$0xFFFFFFF0]  }
0x135: {  	v10 =	vld.idx.msk [tilespmem:v10+s14+$0x0], $0xffff  }
0x136: {  	v12 =	vld.idx.msk [tilespmem:v12+s14+$0x0], $0xffff  }
0x137: {  	v9 =	vld.idx.msk [tilespmem:v9+s14+$0x0], $0xffff  }
0x138: {  	v11 =	vld.idx.msk [tilespmem:v11+s14+$0x0], $0xffff  }
0x139: {  	v7 =	vld.idx.msk [tilespmem:v7+s14+$0x0], $0xffff  }
0x13a: {  	v8 =	vld.idx.msk [tilespmem:v8+s14+$0x0], $0xffff  }
0x13b: {  	v6 =	vld.idx.msk [tilespmem:v6+s14+$0x0], $0xffff  }
0x13c: {  	v13 =	vld.idx.msk [tilespmem:v13+s14+$0x0], $0xffff  }
0x13d: {  	v4 =	vmul.f32 v5, v4  }
0x13e: {  	v5 =	vmul.f32 v12, v10  }
0x13f: {  	[tilespmem:s20+$0xFFFFFFF0] =	vst v4;
	v4 =	vmul.f32 v11, v9  }
0x140: {  	[tilespmem:s21+$0x70] =	vst v5;
	v5 =	vmul.f32 v8, v7  }
0x141: {  	[tilespmem:s21+$0xFFFFFFF0] =	vst v4;
	v4 =	vmul.f32 v13, v6  }
0x142: {  	[tilespmem:s25+$0x70] =	vst v5  }
0x143: {  	[tilespmem:s25+$0xFFFFFFF0] =	vst v4  }
0x144: {  	[tilespmem:s14], [sflag:$0x2] =	stream.strided.gather [hbm4b:s6+s16], $0x18700, s13, s16, $0x38;
	[tilespmem:$0x1E980] =	vst v63  }
0x145: {  	_ =	swait.ge [sflag:s17], $0x18700  }
0x146: {  	[sflag:s17] =	ssyncset.done $0x0  }
0x147: {  	s20 =	simm.s32 $0x0;
	[sflag:s17] =	ssyncadd.s32 $0xFFFE7900  }
0x148: {  	v4 =	vld [tilespmem:s20+$0x80]  }
0x149: {  	v5 =	vld [tilespmem:s20+$0x2080]  }
0x14a: {  	v6 =	vld [tilespmem:s20+$0x0]  }
0x14b: {  	v7 =	vld [tilespmem:s20+$0x2000]  }
0x14c: {  	v8 =	vld [tilespmem:s20+$0x10]  }
0x14d: {  	v9 =	vld [tilespmem:s20+$0x90]  }
0x14e: {  	v10 =	vld [tilespmem:s20+$0x2090]  }
0x14f: {  	v11 =	vld [tilespmem:s20+$0x2010]  }
0x150: {  	v12 =	vld [tilespmem:s20+$0x20]  }
0x151: {  	v13 =	vld [tilespmem:s20+$0x20A0]  }
0x152: {  	v14 =	vld [tilespmem:s20+$0x30]  }
0x153: {  	s21 =	simm.s32 $0x100;
	v15 =	vld [tilespmem:s20+$0x2070]  }
0x154: {  	v16 =	vld [tilespmem:s21+$0x20]  }
0x155: {  	v4 =	vld.idx.msk [tilespmem:v4+s14+$0x0], $0xffff  }
0x156: {  	v5 =	vld.idx.msk [tilespmem:v5+s14+$0x0], $0xffff  }
0x157: {  	v17 =	vld [tilespmem:s21+$0x2090]  }
0x158: {  	v58 =	vld [tilespmem:s21+$0xA0]  }
0x159: {  	v18 =	vld [tilespmem:s21+$0x2030]  }
0x15a: {  	v59 =	vld [tilespmem:s21+$0x2040]  }
0x15b: {  	v6 =	vld.idx.msk [tilespmem:v6+s14+$0x0], $0xffff;
	v4 =	vmul.f32 v5, v4  }
0x15c: {  	v7 =	vld.idx.msk [tilespmem:v7+s14+$0x0], $0xffff  }
0x15d: {  	[tilespmem:s20+$0x1C780] =	vst.add.f32.msk $0xffff, v4  }
0x15e: {  	v4 =	vld.idx.msk [tilespmem:v9+s14+$0x0], $0xffff  }
0x15f: {  	v9 =	vld.idx.msk [tilespmem:v10+s14+$0x0], $0xffff  }
0x160: {  	v10 =	vld [tilespmem:s20+$0xA0]  }
0x161: {  	v60 =	vld [tilespmem:s21+$0x2050]  }
0x162: {  	v61 =	vld [tilespmem:s21+$0x2060];
	v6 =	vmul.f32 v7, v6  }
0x163: {  	v5 =	vld [tilespmem:s20+$0x2020]  }
0x164: {  	[tilespmem:s20+$0x1C700] =	vst.add.f32.msk $0xffff, v6  }
0x165: {  	v6 =	vld.idx.msk [tilespmem:v8+s14+$0x0], $0xffff;
	v4 =	vmul.f32 v9, v4  }
0x166: {  	v8 =	vld.idx.msk [tilespmem:v11+s14+$0x0], $0xffff  }
0x167: {  	[tilespmem:s20+$0x1C790] =	vst.add.f32.msk $0xffff, v4  }
0x168: {  	v4 =	vld.idx.msk [tilespmem:v10+s14+$0x0], $0xffff  }
0x169: {  	v9 =	vld.idx.msk [tilespmem:v13+s14+$0x0], $0xffff  }
0x16a: {  	v10 =	vld [tilespmem:s20+$0xB0]  }
0x16b: {  	v11 =	vld [tilespmem:s20+$0x20B0]  }
0x16c: {  	v62 =	vld [tilespmem:s21+$0x20E0];
	v6 =	vmul.f32 v8, v6  }
0x16d: {  	v7 =	vld [tilespmem:s20+$0x2030]  }
0x16e: {  	[tilespmem:s20+$0x1C710] =	vst.add.f32.msk $0xffff, v6  }
0x16f: {  	v6 =	vld.idx.msk [tilespmem:v12+s14+$0x0], $0xffff;
	v4 =	vmul.f32 v9, v4  }
0x170: {  	v5 =	vld.idx.msk [tilespmem:v5+s14+$0x0], $0xffff  }
0x171: {  	[tilespmem:s20+$0x1C7A0] =	vst.add.f32.msk $0xffff, v4  }
0x172: {  	v4 =	vld.idx.msk [tilespmem:v10+s14+$0x0], $0xffff  }
0x173: {  	v9 =	vld.idx.msk [tilespmem:v11+s14+$0x0], $0xffff  }
0x174: {  	v10 =	vld [tilespmem:s20+$0xC0]  }
0x175: {  	v11 =	vld [tilespmem:s20+$0x20C0]  }
0x176: {  	v8 =	vld [tilespmem:s20+$0x2040];
	v5 =	vmul.f32 v5, v6  }
0x177: {  	v13 =	vld [tilespmem:s20+$0x40]  }
0x178: {  	[tilespmem:s20+$0x1C720] =	vst.add.f32.msk $0xffff, v5  }
0x179: {  	v5 =	vld.idx.msk [tilespmem:v14+s14+$0x0], $0xffff;
	v4 =	vmul.f32 v9, v4  }
0x17a: {  	v7 =	vld.idx.msk [tilespmem:v7+s14+$0x0], $0xffff  }
0x17b: {  	[tilespmem:s20+$0x1C7B0] =	vst.add.f32.msk $0xffff, v4  }
0x17c: {  	v4 =	vld.idx.msk [tilespmem:v10+s14+$0x0], $0xffff  }
0x17d: {  	v9 =	vld.idx.msk [tilespmem:v11+s14+$0x0], $0xffff  }
0x17e: {  	v10 =	vld [tilespmem:s20+$0xD0]  }
0x17f: {  	v11 =	vld [tilespmem:s20+$0x20D0]  }
0x180: {  	v12 =	vld [tilespmem:s20+$0x50];
	v5 =	vmul.f32 v7, v5  }
0x181: {  	v6 =	vld [tilespmem:s20+$0x2050]  }
0x182: {  	[tilespmem:s20+$0x1C730] =	vst.add.f32.msk $0xffff, v5  }
0x183: {  	v5 =	vld.idx.msk [tilespmem:v13+s14+$0x0], $0xffff;
	v4 =	vmul.f32 v9, v4  }
0x184: {  	v8 =	vld.idx.msk [tilespmem:v8+s14+$0x0], $0xffff  }
0x185: {  	[tilespmem:s20+$0x1C7C0] =	vst.add.f32.msk $0xffff, v4  }
0x186: {  	v4 =	vld.idx.msk [tilespmem:v10+s14+$0x0], $0xffff  }
0x187: {  	v9 =	vld.idx.msk [tilespmem:v11+s14+$0x0], $0xffff  }
0x188: {  	v10 =	vld [tilespmem:s20+$0xE0]  }
0x189: {  	v5 =	vmul.f32 v8, v5;
	v11 =	vld [tilespmem:s20+$0x20E0]  }
0x18a: {  	v63 =	vld [tilespmem:s21+$0xF0]  }
0x18b: {  	[tilespmem:s20+$0x1C740] =	vst.add.f32.msk $0xffff, v5  }
0x18c: {  	v5 =	vld.idx.msk [tilespmem:v12+s14+$0x0], $0xffff  }
0x18d: {  	v6 =	vld.idx.msk [tilespmem:v6+s14+$0x0], $0xffff;
	v4 =	vmul.f32 v9, v4  }
0x18e: {  	v9 =	vld [tilespmem:s20+$0xF0]  }
0x18f: {  	[tilespmem:s20+$0x1C7D0] =	vst.add.f32.msk $0xffff, v4  }
0x190: {  	v4 =	vld.idx.msk [tilespmem:v10+s14+$0x0], $0xffff  }
0x191: {  	v8 =	vld.idx.msk [tilespmem:v11+s14+$0x0], $0xffff  }
0x192: {  	v5 =	vmul.f32 v6, v5;
	v6 =	vld [tilespmem:s20+$0x20F0]  }
0x193: {  	v14 =	vld [tilespmem:s20+$0x60]  }
0x194: {  	[tilespmem:s20+$0x1C750] =	vst.add.f32.msk $0xffff, v5  }
0x195: {  	v5 =	vld [tilespmem:s21+$0x80]  }
0x196: {  	v4 =	vmul.f32 v8, v4;
	v8 =	vld [tilespmem:s21+$0x2080]  }
0x197: {  	v7 =	vld [tilespmem:s20+$0x2060]  }
0x198: {  	[tilespmem:s20+$0x1C7E0] =	vst.add.f32.msk $0xffff, v4  }
0x199: {  	v4 =	vld.idx.msk [tilespmem:v9+s14+$0x0], $0xffff  }
0x19a: {  	v6 =	vld.idx.msk [tilespmem:v6+s14+$0x0], $0xffff  }
0x19b: {  	v9 =	vld [tilespmem:s21+$0x0]  }
0x19c: {  	v11 =	vld [tilespmem:s21+$0x2000]  }
0x19d: {  	v5 =	vld.idx.msk [tilespmem:v5+s14+$0x0], $0xffff  }
0x19e: {  	v8 =	vld.idx.msk [tilespmem:v8+s14+$0x0], $0xffff  }
0x19f: {  	v4 =	vmul.f32 v6, v4;
	v6 =	vld [tilespmem:s21+$0x90]  }
0x1a0: {  	v12 =	vld [tilespmem:s21+$0x10]  }
0x1a1: {  	v10 =	vld.idx.msk [tilespmem:v14+s14+$0x0], $0xffff  }
0x1a2: {  	[tilespmem:s20+$0x1C7F0] =	vst.add.f32.msk $0xffff, v4  }
0x1a3: {  	v4 =	vld.idx.msk [tilespmem:v9+s14+$0x0], $0xffff  }
0x1a4: {  	v9 =	vld.idx.msk [tilespmem:v11+s14+$0x0], $0xffff;
	v5 =	vmul.f32 v8, v5  }
0x1a5: {  	v14 =	vld [tilespmem:s21+$0x2010]  }
0x1a6: {  	[tilespmem:s21+$0x1C780] =	vst.add.f32.msk $0xffff, v5  }
0x1a7: {  	v5 =	vld.idx.msk [tilespmem:v6+s14+$0x0], $0xffff  }
0x1a8: {  	v6 =	vld.idx.msk [tilespmem:v17+s14+$0x0], $0xffff  }
0x1a9: {  	v4 =	vmul.f32 v9, v4;
	v9 =	vld [tilespmem:s21+$0x20A0]  }
0x1aa: {  	v11 =	vld [tilespmem:s21+$0x2020]  }
0x1ab: {  	[tilespmem:s21+$0x1C700] =	vst.add.f32.msk $0xffff, v4  }
0x1ac: {  	v4 =	vld.idx.msk [tilespmem:v12+s14+$0x0], $0xffff  }
0x1ad: {  	v12 =	vld.idx.msk [tilespmem:v14+s14+$0x0], $0xffff;
	v5 =	vmul.f32 v6, v5  }
0x1ae: {  	v14 =	vld [tilespmem:s21+$0xB0]  }
0x1af: {  	[tilespmem:s21+$0x1C790] =	vst.add.f32.msk $0xffff, v5  }
0x1b0: {  	v5 =	vld.idx.msk [tilespmem:v58+s14+$0x0], $0xffff  }
0x1b1: {  	v9 =	vld.idx.msk [tilespmem:v9+s14+$0x0], $0xffff  }
0x1b2: {  	v4 =	vmul.f32 v12, v4;
	v12 =	vld [tilespmem:s21+$0x20B0]  }
0x1b3: {  	v13 =	vld [tilespmem:s20+$0x70]  }
0x1b4: {  	v8 =	vld [tilespmem:s21+$0x30]  }
0x1b5: {  	[tilespmem:s21+$0x1C710] =	vst.add.f32.msk $0xffff, v4  }
0x1b6: {  	v4 =	vld.idx.msk [tilespmem:v16+s14+$0x0], $0xffff;
	v5 =	vmul.f32 v9, v5  }
0x1b7: {  	v11 =	vld.idx.msk [tilespmem:v11+s14+$0x0], $0xffff  }
0x1b8: {  	[tilespmem:s21+$0x1C7A0] =	vst.add.f32.msk $0xffff, v5  }
0x1b9: {  	v5 =	vld.idx.msk [tilespmem:v14+s14+$0x0], $0xffff  }
0x1ba: {  	v12 =	vld.idx.msk [tilespmem:v12+s14+$0x0], $0xffff  }
0x1bb: {  	v14 =	vld [tilespmem:s21+$0xC0]  }
0x1bc: {  	v4 =	vmul.f32 v11, v4;
	v11 =	vld [tilespmem:s21+$0x20C0]  }
0x1bd: {  	v7 =	vld.idx.msk [tilespmem:v7+s14+$0x0], $0xffff  }
0x1be: {  	v6 =	vld [tilespmem:s21+$0x40]  }
0x1bf: {  	[tilespmem:s21+$0x1C720] =	vst.add.f32.msk $0xffff, v4  }
0x1c0: {  	v4 =	vld.idx.msk [tilespmem:v8+s14+$0x0], $0xffff;
	v5 =	vmul.f32 v12, v5  }
0x1c1: {  	v8 =	vld.idx.msk [tilespmem:v18+s14+$0x0], $0xffff  }
0x1c2: {  	[tilespmem:s21+$0x1C7B0] =	vst.add.f32.msk $0xffff, v5  }
0x1c3: {  	v5 =	vld.idx.msk [tilespmem:v14+s14+$0x0], $0xffff  }
0x1c4: {  	v11 =	vld.idx.msk [tilespmem:v11+s14+$0x0], $0xffff  }
0x1c5: {  	v14 =	vld [tilespmem:s21+$0xD0]  }
0x1c6: {  	v4 =	vmul.f32 v8, v4;
	v8 =	vld [tilespmem:s21+$0x20D0]  }
0x1c7: {  	v9 =	vld [tilespmem:s21+$0x50]  }
0x1c8: {  	v12 =	vld [tilespmem:s21+$0x60]  }
0x1c9: {  	[tilespmem:s21+$0x1C730] =	vst.add.f32.msk $0xffff, v4  }
0x1ca: {  	v6 =	vld.idx.msk [tilespmem:v6+s14+$0x0], $0xffff;
	v5 =	vmul.f32 v11, v5  }
0x1cb: {  	v17 =	vld.idx.msk [tilespmem:v59+s14+$0x0], $0xffff  }
0x1cc: {  	[tilespmem:s21+$0x1C7C0] =	vst.add.f32.msk $0xffff, v5  }
0x1cd: {  	v11 =	vld.idx.msk [tilespmem:v14+s14+$0x0], $0xffff  }
0x1ce: {  	v8 =	vld.idx.msk [tilespmem:v8+s14+$0x0], $0xffff  }
0x1cf: {  	v14 =	vld [tilespmem:s21+$0xE0]  }
0x1d0: {  	v4 =	vld [tilespmem:s21+$0x70];
	v6 =	vmul.f32 v17, v6  }
0x1d1: {  	v5 =	vld [tilespmem:s21+$0x2070]  }
0x1d2: {  	[tilespmem:s21+$0x1C740] =	vst.add.f32.msk $0xffff, v6  }
0x1d3: {  	v6 =	vmul.f32 v7, v10;
	v7 =	vld.idx.msk [tilespmem:v9+s14+$0x0], $0xffff  }
0x1d4: {  	v9 =	vld.idx.msk [tilespmem:v60+s14+$0x0], $0xffff;
	v8 =	vmul.f32 v8, v11  }
0x1d5: {  	[tilespmem:s20+$0x1C760] =	vst.add.f32.msk $0xffff, v6  }
0x1d6: {  	[tilespmem:s21+$0x1C7D0] =	vst.add.f32.msk $0xffff, v8  }
0x1d7: {  	v6 =	vld.idx.msk [tilespmem:v14+s14+$0x0], $0xffff  }
0x1d8: {  	v14 =	vld.idx.msk [tilespmem:v62+s14+$0x0], $0xffff  }
0x1d9: {  	v9 =	vmul.f32 v9, v7;
	v7 =	vld [tilespmem:s21+$0x20F0]  }
0x1da: {  	v8 =	vld.idx.msk [tilespmem:v13+s14+$0x0], $0xffff  }
0x1db: {  	[tilespmem:s21+$0x1C750] =	vst.add.f32.msk $0xffff, v9  }
0x1dc: {  	v10 =	vld.idx.msk [tilespmem:v12+s14+$0x0], $0xffff  }
0x1dd: {  	v11 =	vld.idx.msk [tilespmem:v61+s14+$0x0], $0xffff;
	v6 =	vmul.f32 v14, v6  }
0x1de: {  	v9 =	vld.idx.msk [tilespmem:v15+s14+$0x0], $0xffff  }
0x1df: {  	[tilespmem:s21+$0x1C7E0] =	vst.add.f32.msk $0xffff, v6  }
0x1e0: {  	s22 =	simm.s32 $0x2;
	s23 =	simm.s32 $0x800;
	v12 =	vld.idx.msk [tilespmem:v63+s14+$0x0], $0xffff  }
.LBB2_4:
0x1e1: {  	s24 =	sshra.s32 s23, $0x2;
	v13 =	vld.idx.msk [tilespmem:v7+s14+$0x0], $0xffff  }
0x1e2: {  	v7 =	vmul.f32 v11, v10;
	v14 =	vld [tilespmem:s24+$0x80]  }
0x1e3: {  	v6 =	vmul.f32 v9, v8;
	v10 =	vld [tilespmem:s24+$0x2080]  }
0x1e4: {  	v8 =	vld [tilespmem:s24+$0x0]  }
0x1e5: {  	v9 =	vld [tilespmem:s24+$0x2000]  }
0x1e6: {  	v11 =	vld [tilespmem:s24+$0x10]  }
0x1e7: {  	v12 =	vmul.f32 v13, v12;
	v15 =	vld [tilespmem:s24+$0x2010]  }
0x1e8: {  	v13 =	vld [tilespmem:s24+$0x20]  }
0x1e9: {  	s22 =	sadd.s32 $0x2, s22;
	[tilespmem:s21+$0x1C7F0] =	vst.add.f32.msk $0xffff, v12  }
0x1ea: {  	p1 =	slt.u32 s22, $0x3E;
	v12 =	vld.idx.msk [tilespmem:v14+s14+$0x0], $0xffff  }
0x1eb: {  	v10 =	vld.idx.msk [tilespmem:v10+s14+$0x0], $0xffff  }
0x1ec: {  	v14 =	vld [tilespmem:s24+$0x90]  }
0x1ed: {  	v16 =	vld [tilespmem:s24+$0x2090]  }
0x1ee: {  	v8 =	vld.idx.msk [tilespmem:v8+s14+$0x0], $0xffff  }
0x1ef: {  	v9 =	vld.idx.msk [tilespmem:v9+s14+$0x0], $0xffff  }
0x1f0: {  	v17 =	vld [tilespmem:s24+$0x2020]  }
0x1f1: {  	v10 =	vmul.f32 v10, v12;
	v18 =	vld [tilespmem:s24+$0x30]  }
0x1f2: {  	v12 =	vld [tilespmem:s24+$0x2030]  }
0x1f3: {  	[tilespmem:s24+$0x1C780] =	vst.add.f32.msk $0xffff, v10  }
0x1f4: {  	v10 =	vld.idx.msk [tilespmem:v14+s14+$0x0], $0xffff  }
0x1f5: {  	v8 =	vmul.f32 v9, v8;
	v9 =	vld.idx.msk [tilespmem:v16+s14+$0x0], $0xffff  }
0x1f6: {  	v14 =	vld [tilespmem:s24+$0xA0]  }
0x1f7: {  	v16 =	vld [tilespmem:s24+$0x20A0]  }
0x1f8: {  	[tilespmem:s24+$0x1C700] =	vst.add.f32.msk $0xffff, v8  }
0x1f9: {  	v8 =	vld.idx.msk [tilespmem:v11+s14+$0x0], $0xffff  }
0x1fa: {  	v11 =	vld.idx.msk [tilespmem:v15+s14+$0x0], $0xffff  }
0x1fb: {  	v9 =	vmul.f32 v9, v10;
	v15 =	vld [tilespmem:s24+$0x40]  }
0x1fc: {  	v10 =	vld [tilespmem:s24+$0x2040]  }
0x1fd: {  	[tilespmem:s24+$0x1C790] =	vst.add.f32.msk $0xffff, v9  }
0x1fe: {  	v9 =	vld.idx.msk [tilespmem:v14+s14+$0x0], $0xffff  }
0x1ff: {  	v14 =	vld.idx.msk [tilespmem:v16+s14+$0x0], $0xffff  }
0x200: {  	v8 =	vmul.f32 v11, v8;
	v11 =	vld [tilespmem:s24+$0xB0]  }
0x201: {  	v16 =	vld [tilespmem:s24+$0x20B0]  }
0x202: {  	[tilespmem:s24+$0x1C710] =	vst.add.f32.msk $0xffff, v8  }
0x203: {  	v8 =	vld.idx.msk [tilespmem:v13+s14+$0x0], $0xffff  }
0x204: {  	v13 =	vld.idx.msk [tilespmem:v17+s14+$0x0], $0xffff  }
0x205: {  	v9 =	vmul.f32 v14, v9;
	v17 =	vld [tilespmem:s24+$0x50]  }
0x206: {  	v14 =	vld [tilespmem:s24+$0x2050]  }
0x207: {  	[tilespmem:s24+$0x1C7A0] =	vst.add.f32.msk $0xffff, v9  }
0x208: {  	v9 =	vld.idx.msk [tilespmem:v11+s14+$0x0], $0xffff  }
0x209: {  	v11 =	vld.idx.msk [tilespmem:v16+s14+$0x0], $0xffff  }
0x20a: {  	v8 =	vmul.f32 v13, v8;
	v13 =	vld [tilespmem:s24+$0xC0]  }
0x20b: {  	v16 =	vld [tilespmem:s24+$0x20C0]  }
0x20c: {  	[tilespmem:s24+$0x1C720] =	vst.add.f32.msk $0xffff, v8  }
0x20d: {  	v8 =	vld.idx.msk [tilespmem:v18+s14+$0x0], $0xffff  }
0x20e: {  	v12 =	vld.idx.msk [tilespmem:v12+s14+$0x0], $0xffff  }
0x20f: {  	v9 =	vmul.f32 v11, v9;
	v18 =	vld [tilespmem:s24+$0x60]  }
0x210: {  	v11 =	vld [tilespmem:s24+$0x2060]  }
0x211: {  	[tilespmem:s24+$0x1C7B0] =	vst.add.f32.msk $0xffff, v9  }
0x212: {  	v9 =	vld.idx.msk [tilespmem:v13+s14+$0x0], $0xffff  }
0x213: {  	v13 =	vld.idx.msk [tilespmem:v16+s14+$0x0], $0xffff  }
0x214: {  	v8 =	vmul.f32 v12, v8;
	v12 =	vld [tilespmem:s24+$0xD0]  }
0x215: {  	v16 =	vld [tilespmem:s24+$0x20D0]  }
0x216: {  	[tilespmem:s24+$0x1C730] =	vst.add.f32.msk $0xffff, v8  }
0x217: {  	v8 =	vld.idx.msk [tilespmem:v15+s14+$0x0], $0xffff  }
0x218: {  	v10 =	vld.idx.msk [tilespmem:v10+s14+$0x0], $0xffff  }
0x219: {  	v9 =	vmul.f32 v13, v9;
	v15 =	vld [tilespmem:s24+$0x70]  }
0x21a: {  	v13 =	vld [tilespmem:s24+$0x2070]  }
0x21b: {  	[tilespmem:s24+$0x1C7C0] =	vst.add.f32.msk $0xffff, v9  }
0x21c: {  	v9 =	vld.idx.msk [tilespmem:v12+s14+$0x0], $0xffff  }
0x21d: {  	v12 =	vld.idx.msk [tilespmem:v16+s14+$0x0], $0xffff  }
0x21e: {  	v8 =	vmul.f32 v10, v8;
	v10 =	vld [tilespmem:s24+$0xE0]  }
0x21f: {  	v16 =	vld [tilespmem:s24+$0x20E0]  }
0x220: {  	[tilespmem:s24+$0x1C740] =	vst.add.f32.msk $0xffff, v8  }
0x221: {  	v17 =	vld.idx.msk [tilespmem:v17+s14+$0x0], $0xffff  }
0x222: {  	v14 =	vld.idx.msk [tilespmem:v14+s14+$0x0], $0xffff  }
0x223: {  	v9 =	vmul.f32 v12, v9;
	[tilespmem:s21+$0x1C760] =	vst.add.f32.msk $0xffff, v7  }
0x224: {  	v8 =	vld.idx.msk [tilespmem:v4+s14+$0x0], $0xffff;
	v4 =	vmov v15  }
0x225: {  	[tilespmem:s24+$0x1C7D0] =	vst.add.f32.msk $0xffff, v9  }
0x226: {  	v9 =	vld.idx.msk [tilespmem:v10+s14+$0x0], $0xffff  }
0x227: {  	v12 =	vld.idx.msk [tilespmem:v16+s14+$0x0], $0xffff  }
0x228: {  	v10 =	vmul.f32 v14, v17;
	v14 =	vld [tilespmem:s24+$0xF0]  }
0x229: {  	v7 =	vld [tilespmem:s24+$0x20F0]  }
0x22a: {  	[tilespmem:s24+$0x1C750] =	vst.add.f32.msk $0xffff, v10  }
0x22b: {  	v10 =	vld.idx.msk [tilespmem:v18+s14+$0x0], $0xffff  }
.Ltmp1:
0x22c: {  	v11 =	vld.idx.msk [tilespmem:v11+s14+$0x0], $0xffff;
	(pc) =	sbr.rel @p1 .LBB2_4-.Ltmp1, $4  }
0x22d: {  	v12 =	vmul.f32 v12, v9;
	v9 =	vld.idx.msk [tilespmem:v5+s14+$0x0], $0xffff;
	v5 =	vmov v13  }
0x22e: {  	[tilespmem:s20+$0x1C770] =	vst.add.f32.msk $0xffff, v6;
	s20 =	smov.u32 s21;
	s21 =	smov.u32 s24  }
0x22f: {  	[tilespmem:s21+$0x1C7E0] =	vst.add.f32.msk $0xffff, v12  }
0x230: {  	s23 =	sadd.s32 $0x400, s23;
	v12 =	vld.idx.msk [tilespmem:v14+s14+$0x0], $0xffff  }
0x231: {  	_ =	sdelay $0x2  }
0x232: {  	v6 =	vmul.f32 v11, v10  }
0x233: {  	v7 =	vld.idx.msk [tilespmem:v7+s14+$0x0], $0xffff  }
0x234: {  	[tilespmem:s21+$0x1C760] =	vst.add.f32.msk $0xffff, v6  }
0x235: {  	v4 =	vld.idx.msk [tilespmem:v4+s14+$0x0], $0xffff  }
0x236: {  	v5 =	vld.idx.msk [tilespmem:v5+s14+$0x0], $0xffff;
	_ =	sdelay $0x2  }
0x237: {  	v6 =	vmul.f32 v7, v12  }
0x238: {  	v7 =	vmul.f32 v9, v8  }
0x239: {  	[tilespmem:s21+$0x1C7F0] =	vst.add.f32.msk $0xffff, v6;
	v4 =	vmul.f32 v5, v4  }
0x23a: {  	[tilespmem:s20+$0x1C770] =	vst.add.f32.msk $0xffff, v7  }
0x23b: {  	[tilespmem:s21+$0x1C770] =	vst.add.f32.msk $0xffff, v4  }
0x23c: {  	[tilespmem:s14], [sflag:$0x2] =	stream.strided.gather [hbm4b:s7+s16], $0x18700, s13, s16, $0x38;
	[tilespmem:$0x1E980] =	vst v63  }
0x23d: {  	_ =	swait.ge [sflag:s17], $0x18700  }
0x23e: {  	[sflag:s17] =	ssyncset.done $0x0  }
0x23f: {  	s20 =	simm.s32 $0x0;
	[sflag:s17] =	ssyncadd.s32 $0xFFFE7900  }
0x240: {  	v4 =	vld [tilespmem:s20+$0x80]  }
0x241: {  	v5 =	vld [tilespmem:s20+$0x2080]  }
0x242: {  	v6 =	vld [tilespmem:s20+$0x0]  }
0x243: {  	v7 =	vld [tilespmem:s20+$0x2000]  }
0x244: {  	v8 =	vld [tilespmem:s20+$0x10]  }
0x245: {  	v9 =	vld [tilespmem:s20+$0x90]  }
0x246: {  	v10 =	vld [tilespmem:s20+$0x2090]  }
0x247: {  	v11 =	vld [tilespmem:s20+$0x2010]  }
0x248: {  	v12 =	vld [tilespmem:s20+$0x20]  }
0x249: {  	v13 =	vld [tilespmem:s20+$0x20A0]  }
0x24a: {  	v14 =	vld [tilespmem:s20+$0x30]  }
0x24b: {  	s21 =	simm.s32 $0x100;
	v15 =	vld [tilespmem:s20+$0x2070]  }
0x24c: {  	v16 =	vld [tilespmem:s21+$0x20]  }
0x24d: {  	v4 =	vld.idx.msk [tilespmem:v4+s14+$0x0], $0xffff  }
0x24e: {  	v5 =	vld.idx.msk [tilespmem:v5+s14+$0x0], $0xffff  }
0x24f: {  	v17 =	vld [tilespmem:s21+$0x2090]  }
0x250: {  	v58 =	vld [tilespmem:s21+$0xA0]  }
0x251: {  	v18 =	vld [tilespmem:s21+$0x2030]  }
0x252: {  	v59 =	vld [tilespmem:s21+$0x2040]  }
0x253: {  	v6 =	vld.idx.msk [tilespmem:v6+s14+$0x0], $0xffff;
	v4 =	vmul.f32 v5, v4  }
0x254: {  	v7 =	vld.idx.msk [tilespmem:v7+s14+$0x0], $0xffff  }
0x255: {  	[tilespmem:s20+$0x1C780] =	vst.add.f32.msk $0xffff, v4  }
0x256: {  	v4 =	vld.idx.msk [tilespmem:v9+s14+$0x0], $0xffff  }
0x257: {  	v9 =	vld.idx.msk [tilespmem:v10+s14+$0x0], $0xffff  }
0x258: {  	v10 =	vld [tilespmem:s20+$0xA0]  }
0x259: {  	v60 =	vld [tilespmem:s21+$0x2050]  }
0x25a: {  	v61 =	vld [tilespmem:s21+$0x2060];
	v6 =	vmul.f32 v7, v6  }
0x25b: {  	v5 =	vld [tilespmem:s20+$0x2020]  }
0x25c: {  	[tilespmem:s20+$0x1C700] =	vst.add.f32.msk $0xffff, v6  }
0x25d: {  	v6 =	vld.idx.msk [tilespmem:v8+s14+$0x0], $0xffff;
	v4 =	vmul.f32 v9, v4  }
0x25e: {  	v8 =	vld.idx.msk [tilespmem:v11+s14+$0x0], $0xffff  }
0x25f: {  	[tilespmem:s20+$0x1C790] =	vst.add.f32.msk $0xffff, v4  }
0x260: {  	v4 =	vld.idx.msk [tilespmem:v10+s14+$0x0], $0xffff  }
0x261: {  	v9 =	vld.idx.msk [tilespmem:v13+s14+$0x0], $0xffff  }
0x262: {  	v10 =	vld [tilespmem:s20+$0xB0]  }
0x263: {  	v11 =	vld [tilespmem:s20+$0x20B0]  }
0x264: {  	v62 =	vld [tilespmem:s21+$0x20E0];
	v6 =	vmul.f32 v8, v6  }
0x265: {  	v7 =	vld [tilespmem:s20+$0x2030]  }
0x266: {  	[tilespmem:s20+$0x1C710] =	vst.add.f32.msk $0xffff, v6  }
0x267: {  	v6 =	vld.idx.msk [tilespmem:v12+s14+$0x0], $0xffff;
	v4 =	vmul.f32 v9, v4  }
0x268: {  	v5 =	vld.idx.msk [tilespmem:v5+s14+$0x0], $0xffff  }
0x269: {  	[tilespmem:s20+$0x1C7A0] =	vst.add.f32.msk $0xffff, v4  }
0x26a: {  	v4 =	vld.idx.msk [tilespmem:v10+s14+$0x0], $0xffff  }
0x26b: {  	v9 =	vld.idx.msk [tilespmem:v11+s14+$0x0], $0xffff  }
0x26c: {  	v10 =	vld [tilespmem:s20+$0xC0]  }
0x26d: {  	v11 =	vld [tilespmem:s20+$0x20C0]  }
0x26e: {  	v8 =	vld [tilespmem:s20+$0x2040];
	v5 =	vmul.f32 v5, v6  }
0x26f: {  	v13 =	vld [tilespmem:s20+$0x40]  }
0x270: {  	[tilespmem:s20+$0x1C720] =	vst.add.f32.msk $0xffff, v5  }
0x271: {  	v5 =	vld.idx.msk [tilespmem:v14+s14+$0x0], $0xffff;
	v4 =	vmul.f32 v9, v4  }
0x272: {  	v7 =	vld.idx.msk [tilespmem:v7+s14+$0x0], $0xffff  }
0x273: {  	[tilespmem:s20+$0x1C7B0] =	vst.add.f32.msk $0xffff, v4  }
0x274: {  	v4 =	vld.idx.msk [tilespmem:v10+s14+$0x0], $0xffff  }
0x275: {  	v9 =	vld.idx.msk [tilespmem:v11+s14+$0x0], $0xffff  }
0x276: {  	v10 =	vld [tilespmem:s20+$0xD0]  }
0x277: {  	v11 =	vld [tilespmem:s20+$0x20D0]  }
0x278: {  	v12 =	vld [tilespmem:s20+$0x50];
	v5 =	vmul.f32 v7, v5  }
0x279: {  	v6 =	vld [tilespmem:s20+$0x2050]  }
0x27a: {  	[tilespmem:s20+$0x1C730] =	vst.add.f32.msk $0xffff, v5  }
0x27b: {  	v5 =	vld.idx.msk [tilespmem:v13+s14+$0x0], $0xffff;
	v4 =	vmul.f32 v9, v4  }
0x27c: {  	v8 =	vld.idx.msk [tilespmem:v8+s14+$0x0], $0xffff  }
0x27d: {  	[tilespmem:s20+$0x1C7C0] =	vst.add.f32.msk $0xffff, v4  }
0x27e: {  	v4 =	vld.idx.msk [tilespmem:v10+s14+$0x0], $0xffff  }
0x27f: {  	v9 =	vld.idx.msk [tilespmem:v11+s14+$0x0], $0xffff  }
0x280: {  	v10 =	vld [tilespmem:s20+$0xE0]  }
0x281: {  	v5 =	vmul.f32 v8, v5;
	v11 =	vld [tilespmem:s20+$0x20E0]  }
0x282: {  	v63 =	vld [tilespmem:s21+$0xF0]  }
0x283: {  	[tilespmem:s20+$0x1C740] =	vst.add.f32.msk $0xffff, v5  }
0x284: {  	v5 =	vld.idx.msk [tilespmem:v12+s14+$0x0], $0xffff  }
0x285: {  	v6 =	vld.idx.msk [tilespmem:v6+s14+$0x0], $0xffff;
	v4 =	vmul.f32 v9, v4  }
0x286: {  	v9 =	vld [tilespmem:s20+$0xF0]  }
0x287: {  	[tilespmem:s20+$0x1C7D0] =	vst.add.f32.msk $0xffff, v4  }
0x288: {  	v4 =	vld.idx.msk [tilespmem:v10+s14+$0x0], $0xffff  }
0x289: {  	v8 =	vld.idx.msk [tilespmem:v11+s14+$0x0], $0xffff  }
0x28a: {  	v5 =	vmul.f32 v6, v5;
	v6 =	vld [tilespmem:s20+$0x20F0]  }
0x28b: {  	v14 =	vld [tilespmem:s20+$0x60]  }
0x28c: {  	[tilespmem:s20+$0x1C750] =	vst.add.f32.msk $0xffff, v5  }
0x28d: {  	v5 =	vld [tilespmem:s21+$0x80]  }
0x28e: {  	v4 =	vmul.f32 v8, v4;
	v8 =	vld [tilespmem:s21+$0x2080]  }
0x28f: {  	v7 =	vld [tilespmem:s20+$0x2060]  }
0x290: {  	[tilespmem:s20+$0x1C7E0] =	vst.add.f32.msk $0xffff, v4  }
0x291: {  	v4 =	vld.idx.msk [tilespmem:v9+s14+$0x0], $0xffff  }
0x292: {  	v6 =	vld.idx.msk [tilespmem:v6+s14+$0x0], $0xffff  }
0x293: {  	v9 =	vld [tilespmem:s21+$0x0]  }
0x294: {  	v11 =	vld [tilespmem:s21+$0x2000]  }
0x295: {  	v5 =	vld.idx.msk [tilespmem:v5+s14+$0x0], $0xffff  }
0x296: {  	v8 =	vld.idx.msk [tilespmem:v8+s14+$0x0], $0xffff  }
0x297: {  	v4 =	vmul.f32 v6, v4;
	v6 =	vld [tilespmem:s21+$0x90]  }
0x298: {  	v12 =	vld [tilespmem:s21+$0x10]  }
0x299: {  	v10 =	vld.idx.msk [tilespmem:v14+s14+$0x0], $0xffff  }
0x29a: {  	[tilespmem:s20+$0x1C7F0] =	vst.add.f32.msk $0xffff, v4  }
0x29b: {  	v4 =	vld.idx.msk [tilespmem:v9+s14+$0x0], $0xffff  }
0x29c: {  	v9 =	vld.idx.msk [tilespmem:v11+s14+$0x0], $0xffff;
	v5 =	vmul.f32 v8, v5  }
0x29d: {  	v14 =	vld [tilespmem:s21+$0x2010]  }
0x29e: {  	[tilespmem:s21+$0x1C780] =	vst.add.f32.msk $0xffff, v5  }
0x29f: {  	v5 =	vld.idx.msk [tilespmem:v6+s14+$0x0], $0xffff  }
0x2a0: {  	v6 =	vld.idx.msk [tilespmem:v17+s14+$0x0], $0xffff  }
0x2a1: {  	v4 =	vmul.f32 v9, v4;
	v9 =	vld [tilespmem:s21+$0x20A0]  }
0x2a2: {  	v11 =	vld [tilespmem:s21+$0x2020]  }
0x2a3: {  	[tilespmem:s21+$0x1C700] =	vst.add.f32.msk $0xffff, v4  }
0x2a4: {  	v4 =	vld.idx.msk [tilespmem:v12+s14+$0x0], $0xffff  }
0x2a5: {  	v12 =	vld.idx.msk [tilespmem:v14+s14+$0x0], $0xffff;
	v5 =	vmul.f32 v6, v5  }
0x2a6: {  	v14 =	vld [tilespmem:s21+$0xB0]  }
0x2a7: {  	[tilespmem:s21+$0x1C790] =	vst.add.f32.msk $0xffff, v5  }
0x2a8: {  	v5 =	vld.idx.msk [tilespmem:v58+s14+$0x0], $0xffff  }
0x2a9: {  	v9 =	vld.idx.msk [tilespmem:v9+s14+$0x0], $0xffff  }
0x2aa: {  	v4 =	vmul.f32 v12, v4;
	v12 =	vld [tilespmem:s21+$0x20B0]  }
0x2ab: {  	v13 =	vld [tilespmem:s20+$0x70]  }
0x2ac: {  	v8 =	vld [tilespmem:s21+$0x30]  }
0x2ad: {  	[tilespmem:s21+$0x1C710] =	vst.add.f32.msk $0xffff, v4  }
0x2ae: {  	v4 =	vld.idx.msk [tilespmem:v16+s14+$0x0], $0xffff;
	v5 =	vmul.f32 v9, v5  }
0x2af: {  	v11 =	vld.idx.msk [tilespmem:v11+s14+$0x0], $0xffff  }
0x2b0: {  	[tilespmem:s21+$0x1C7A0] =	vst.add.f32.msk $0xffff, v5  }
0x2b1: {  	v5 =	vld.idx.msk [tilespmem:v14+s14+$0x0], $0xffff  }
0x2b2: {  	v12 =	vld.idx.msk [tilespmem:v12+s14+$0x0], $0xffff  }
0x2b3: {  	v14 =	vld [tilespmem:s21+$0xC0]  }
0x2b4: {  	v4 =	vmul.f32 v11, v4;
	v11 =	vld [tilespmem:s21+$0x20C0]  }
0x2b5: {  	v7 =	vld.idx.msk [tilespmem:v7+s14+$0x0], $0xffff  }
0x2b6: {  	v6 =	vld [tilespmem:s21+$0x40]  }
0x2b7: {  	[tilespmem:s21+$0x1C720] =	vst.add.f32.msk $0xffff, v4  }
0x2b8: {  	v4 =	vld.idx.msk [tilespmem:v8+s14+$0x0], $0xffff;
	v5 =	vmul.f32 v12, v5  }
0x2b9: {  	v8 =	vld.idx.msk [tilespmem:v18+s14+$0x0], $0xffff  }
0x2ba: {  	[tilespmem:s21+$0x1C7B0] =	vst.add.f32.msk $0xffff, v5  }
0x2bb: {  	v5 =	vld.idx.msk [tilespmem:v14+s14+$0x0], $0xffff  }
0x2bc: {  	v11 =	vld.idx.msk [tilespmem:v11+s14+$0x0], $0xffff  }
0x2bd: {  	v14 =	vld [tilespmem:s21+$0xD0]  }
0x2be: {  	v4 =	vmul.f32 v8, v4;
	v8 =	vld [tilespmem:s21+$0x20D0]  }
0x2bf: {  	v9 =	vld [tilespmem:s21+$0x50]  }
0x2c0: {  	v12 =	vld [tilespmem:s21+$0x60]  }
0x2c1: {  	[tilespmem:s21+$0x1C730] =	vst.add.f32.msk $0xffff, v4  }
0x2c2: {  	v6 =	vld.idx.msk [tilespmem:v6+s14+$0x0], $0xffff;
	v5 =	vmul.f32 v11, v5  }
0x2c3: {  	v17 =	vld.idx.msk [tilespmem:v59+s14+$0x0], $0xffff  }
0x2c4: {  	[tilespmem:s21+$0x1C7C0] =	vst.add.f32.msk $0xffff, v5  }
0x2c5: {  	v11 =	vld.idx.msk [tilespmem:v14+s14+$0x0], $0xffff  }
0x2c6: {  	v8 =	vld.idx.msk [tilespmem:v8+s14+$0x0], $0xffff  }
0x2c7: {  	v14 =	vld [tilespmem:s21+$0xE0]  }
0x2c8: {  	v4 =	vld [tilespmem:s21+$0x70];
	v6 =	vmul.f32 v17, v6  }
0x2c9: {  	v5 =	vld [tilespmem:s21+$0x2070]  }
0x2ca: {  	[tilespmem:s21+$0x1C740] =	vst.add.f32.msk $0xffff, v6  }
0x2cb: {  	v6 =	vmul.f32 v7, v10;
	v7 =	vld.idx.msk [tilespmem:v9+s14+$0x0], $0xffff  }
0x2cc: {  	v9 =	vld.idx.msk [tilespmem:v60+s14+$0x0], $0xffff;
	v8 =	vmul.f32 v8, v11  }
0x2cd: {  	[tilespmem:s20+$0x1C760] =	vst.add.f32.msk $0xffff, v6  }
0x2ce: {  	[tilespmem:s21+$0x1C7D0] =	vst.add.f32.msk $0xffff, v8  }
0x2cf: {  	v6 =	vld.idx.msk [tilespmem:v14+s14+$0x0], $0xffff  }
0x2d0: {  	v14 =	vld.idx.msk [tilespmem:v62+s14+$0x0], $0xffff  }
0x2d1: {  	v9 =	vmul.f32 v9, v7;
	v7 =	vld [tilespmem:s21+$0x20F0]  }
0x2d2: {  	v8 =	vld.idx.msk [tilespmem:v13+s14+$0x0], $0xffff  }
0x2d3: {  	[tilespmem:s21+$0x1C750] =	vst.add.f32.msk $0xffff, v9  }
0x2d4: {  	v10 =	vld.idx.msk [tilespmem:v12+s14+$0x0], $0xffff  }
0x2d5: {  	v11 =	vld.idx.msk [tilespmem:v61+s14+$0x0], $0xffff;
	v6 =	vmul.f32 v14, v6  }
0x2d6: {  	v9 =	vld.idx.msk [tilespmem:v15+s14+$0x0], $0xffff  }
0x2d7: {  	[tilespmem:s21+$0x1C7E0] =	vst.add.f32.msk $0xffff, v6  }
0x2d8: {  	s22 =	simm.s32 $0x2;
	s23 =	simm.s32 $0x800;
	v12 =	vld.idx.msk [tilespmem:v63+s14+$0x0], $0xffff  }
.LBB2_6:
0x2d9: {  	s24 =	sshra.s32 s23, $0x2;
	v13 =	vld.idx.msk [tilespmem:v7+s14+$0x0], $0xffff  }
0x2da: {  	v7 =	vmul.f32 v11, v10;
	v14 =	vld [tilespmem:s24+$0x80]  }
0x2db: {  	v6 =	vmul.f32 v9, v8;
	v10 =	vld [tilespmem:s24+$0x2080]  }
0x2dc: {  	v8 =	vld [tilespmem:s24+$0x0]  }
0x2dd: {  	v9 =	vld [tilespmem:s24+$0x2000]  }
0x2de: {  	v11 =	vld [tilespmem:s24+$0x10]  }
0x2df: {  	v12 =	vmul.f32 v13, v12;
	v15 =	vld [tilespmem:s24+$0x2010]  }
0x2e0: {  	v13 =	vld [tilespmem:s24+$0x20]  }
0x2e1: {  	s22 =	sadd.s32 $0x2, s22;
	[tilespmem:s21+$0x1C7F0] =	vst.add.f32.msk $0xffff, v12  }
0x2e2: {  	p1 =	slt.u32 s22, $0x3E;
	v12 =	vld.idx.msk [tilespmem:v14+s14+$0x0], $0xffff  }
0x2e3: {  	v10 =	vld.idx.msk [tilespmem:v10+s14+$0x0], $0xffff  }
0x2e4: {  	v14 =	vld [tilespmem:s24+$0x90]  }
0x2e5: {  	v16 =	vld [tilespmem:s24+$0x2090]  }
0x2e6: {  	v8 =	vld.idx.msk [tilespmem:v8+s14+$0x0], $0xffff  }
0x2e7: {  	v9 =	vld.idx.msk [tilespmem:v9+s14+$0x0], $0xffff  }
0x2e8: {  	v17 =	vld [tilespmem:s24+$0x2020]  }
0x2e9: {  	v10 =	vmul.f32 v10, v12;
	v18 =	vld [tilespmem:s24+$0x30]  }
0x2ea: {  	v12 =	vld [tilespmem:s24+$0x2030]  }
0x2eb: {  	[tilespmem:s24+$0x1C780] =	vst.add.f32.msk $0xffff, v10  }
0x2ec: {  	v10 =	vld.idx.msk [tilespmem:v14+s14+$0x0], $0xffff  }
0x2ed: {  	v8 =	vmul.f32 v9, v8;
	v9 =	vld.idx.msk [tilespmem:v16+s14+$0x0], $0xffff  }
0x2ee: {  	v14 =	vld [tilespmem:s24+$0xA0]  }
0x2ef: {  	v16 =	vld [tilespmem:s24+$0x20A0]  }
0x2f0: {  	[tilespmem:s24+$0x1C700] =	vst.add.f32.msk $0xffff, v8  }
0x2f1: {  	v8 =	vld.idx.msk [tilespmem:v11+s14+$0x0], $0xffff  }
0x2f2: {  	v11 =	vld.idx.msk [tilespmem:v15+s14+$0x0], $0xffff  }
0x2f3: {  	v9 =	vmul.f32 v9, v10;
	v15 =	vld [tilespmem:s24+$0x40]  }
0x2f4: {  	v10 =	vld [tilespmem:s24+$0x2040]  }
0x2f5: {  	[tilespmem:s24+$0x1C790] =	vst.add.f32.msk $0xffff, v9  }
0x2f6: {  	v9 =	vld.idx.msk [tilespmem:v14+s14+$0x0], $0xffff  }
0x2f7: {  	v14 =	vld.idx.msk [tilespmem:v16+s14+$0x0], $0xffff  }
0x2f8: {  	v8 =	vmul.f32 v11, v8;
	v11 =	vld [tilespmem:s24+$0xB0]  }
0x2f9: {  	v16 =	vld [tilespmem:s24+$0x20B0]  }
0x2fa: {  	[tilespmem:s24+$0x1C710] =	vst.add.f32.msk $0xffff, v8  }
0x2fb: {  	v8 =	vld.idx.msk [tilespmem:v13+s14+$0x0], $0xffff  }
0x2fc: {  	v13 =	vld.idx.msk [tilespmem:v17+s14+$0x0], $0xffff  }
0x2fd: {  	v9 =	vmul.f32 v14, v9;
	v17 =	vld [tilespmem:s24+$0x50]  }
0x2fe: {  	v14 =	vld [tilespmem:s24+$0x2050]  }
0x2ff: {  	[tilespmem:s24+$0x1C7A0] =	vst.add.f32.msk $0xffff, v9  }
0x300: {  	v9 =	vld.idx.msk [tilespmem:v11+s14+$0x0], $0xffff  }
0x301: {  	v11 =	vld.idx.msk [tilespmem:v16+s14+$0x0], $0xffff  }
0x302: {  	v8 =	vmul.f32 v13, v8;
	v13 =	vld [tilespmem:s24+$0xC0]  }
0x303: {  	v16 =	vld [tilespmem:s24+$0x20C0]  }
0x304: {  	[tilespmem:s24+$0x1C720] =	vst.add.f32.msk $0xffff, v8  }
0x305: {  	v8 =	vld.idx.msk [tilespmem:v18+s14+$0x0], $0xffff  }
0x306: {  	v12 =	vld.idx.msk [tilespmem:v12+s14+$0x0], $0xffff  }
0x307: {  	v9 =	vmul.f32 v11, v9;
	v18 =	vld [tilespmem:s24+$0x60]  }
0x308: {  	v11 =	vld [tilespmem:s24+$0x2060]  }
0x309: {  	[tilespmem:s24+$0x1C7B0] =	vst.add.f32.msk $0xffff, v9  }
0x30a: {  	v9 =	vld.idx.msk [tilespmem:v13+s14+$0x0], $0xffff  }
0x30b: {  	v13 =	vld.idx.msk [tilespmem:v16+s14+$0x0], $0xffff  }
0x30c: {  	v8 =	vmul.f32 v12, v8;
	v12 =	vld [tilespmem:s24+$0xD0]  }
0x30d: {  	v16 =	vld [tilespmem:s24+$0x20D0]  }
0x30e: {  	[tilespmem:s24+$0x1C730] =	vst.add.f32.msk $0xffff, v8  }
0x30f: {  	v8 =	vld.idx.msk [tilespmem:v15+s14+$0x0], $0xffff  }
0x310: {  	v10 =	vld.idx.msk [tilespmem:v10+s14+$0x0], $0xffff  }
0x311: {  	v9 =	vmul.f32 v13, v9;
	v15 =	vld [tilespmem:s24+$0x70]  }
0x312: {  	v13 =	vld [tilespmem:s24+$0x2070]  }
0x313: {  	[tilespmem:s24+$0x1C7C0] =	vst.add.f32.msk $0xffff, v9  }
0x314: {  	v9 =	vld.idx.msk [tilespmem:v12+s14+$0x0], $0xffff  }
0x315: {  	v12 =	vld.idx.msk [tilespmem:v16+s14+$0x0], $0xffff  }
0x316: {  	v8 =	vmul.f32 v10, v8;
	v10 =	vld [tilespmem:s24+$0xE0]  }
0x317: {  	v16 =	vld [tilespmem:s24+$0x20E0]  }
0x318: {  	[tilespmem:s24+$0x1C740] =	vst.add.f32.msk $0xffff, v8  }
0x319: {  	v17 =	vld.idx.msk [tilespmem:v17+s14+$0x0], $0xffff  }
0x31a: {  	v14 =	vld.idx.msk [tilespmem:v14+s14+$0x0], $0xffff  }
0x31b: {  	v9 =	vmul.f32 v12, v9;
	[tilespmem:s21+$0x1C760] =	vst.add.f32.msk $0xffff, v7  }
0x31c: {  	v8 =	vld.idx.msk [tilespmem:v4+s14+$0x0], $0xffff;
	v4 =	vmov v15  }
0x31d: {  	[tilespmem:s24+$0x1C7D0] =	vst.add.f32.msk $0xffff, v9  }
0x31e: {  	v9 =	vld.idx.msk [tilespmem:v10+s14+$0x0], $0xffff  }
0x31f: {  	v12 =	vld.idx.msk [tilespmem:v16+s14+$0x0], $0xffff  }
0x320: {  	v10 =	vmul.f32 v14, v17;
	v14 =	vld [tilespmem:s24+$0xF0]  }
0x321: {  	v7 =	vld [tilespmem:s24+$0x20F0]  }
0x322: {  	[tilespmem:s24+$0x1C750] =	vst.add.f32.msk $0xffff, v10  }
0x323: {  	v10 =	vld.idx.msk [tilespmem:v18+s14+$0x0], $0xffff  }
.Ltmp2:
0x324: {  	v11 =	vld.idx.msk [tilespmem:v11+s14+$0x0], $0xffff;
	(pc) =	sbr.rel @p1 .LBB2_6-.Ltmp2, $4  }
0x325: {  	v12 =	vmul.f32 v12, v9;
	v9 =	vld.idx.msk [tilespmem:v5+s14+$0x0], $0xffff;
	v5 =	vmov v13  }
0x326: {  	[tilespmem:s20+$0x1C770] =	vst.add.f32.msk $0xffff, v6;
	s20 =	smov.u32 s21;
	s21 =	smov.u32 s24  }
0x327: {  	[tilespmem:s21+$0x1C7E0] =	vst.add.f32.msk $0xffff, v12  }
0x328: {  	s23 =	sadd.s32 $0x400, s23;
	v12 =	vld.idx.msk [tilespmem:v14+s14+$0x0], $0xffff  }
0x329: {  	_ =	sdelay $0x2  }
0x32a: {  	v6 =	vmul.f32 v11, v10  }
0x32b: {  	v7 =	vld.idx.msk [tilespmem:v7+s14+$0x0], $0xffff  }
0x32c: {  	[tilespmem:s21+$0x1C760] =	vst.add.f32.msk $0xffff, v6  }
0x32d: {  	v4 =	vld.idx.msk [tilespmem:v4+s14+$0x0], $0xffff  }
0x32e: {  	v5 =	vld.idx.msk [tilespmem:v5+s14+$0x0], $0xffff;
	_ =	sdelay $0x2  }
0x32f: {  	v6 =	vmul.f32 v7, v12  }
0x330: {  	v7 =	vmul.f32 v9, v8  }
0x331: {  	[tilespmem:s21+$0x1C7F0] =	vst.add.f32.msk $0xffff, v6;
	v4 =	vmul.f32 v5, v4  }
0x332: {  	[tilespmem:s20+$0x1C770] =	vst.add.f32.msk $0xffff, v7  }
0x333: {  	[tilespmem:s21+$0x1C770] =	vst.add.f32.msk $0xffff, v4  }
0x334: {  	[tilespmem:s14], [sflag:$0x2] =	stream.strided.gather [hbm4b:s9+s16], $0x18700, s13, s16, $0x38;
	[tilespmem:$0x1E980] =	vst v63  }
0x335: {  	_ =	swait.ge [sflag:s17], $0x18700  }
0x336: {  	[sflag:s17] =	ssyncset.done $0x0  }
0x337: {  	s20 =	simm.s32 $0x0;
	[sflag:s17] =	ssyncadd.s32 $0xFFFE7900  }
0x338: {  	v4 =	vld [tilespmem:s20+$0x80]  }
0x339: {  	v5 =	vld [tilespmem:s20+$0x2080]  }
0x33a: {  	v6 =	vld [tilespmem:s20+$0x0]  }
0x33b: {  	v7 =	vld [tilespmem:s20+$0x2000]  }
0x33c: {  	v8 =	vld [tilespmem:s20+$0x10]  }
0x33d: {  	v9 =	vld [tilespmem:s20+$0x90]  }
0x33e: {  	v10 =	vld [tilespmem:s20+$0x2090]  }
0x33f: {  	v11 =	vld [tilespmem:s20+$0x2010]  }
0x340: {  	v12 =	vld [tilespmem:s20+$0x20]  }
0x341: {  	v13 =	vld [tilespmem:s20+$0x20A0]  }
0x342: {  	v14 =	vld [tilespmem:s20+$0x30]  }
0x343: {  	s21 =	simm.s32 $0x100;
	v15 =	vld [tilespmem:s20+$0x2070]  }
0x344: {  	v16 =	vld [tilespmem:s21+$0x20]  }
0x345: {  	v4 =	vld.idx.msk [tilespmem:v4+s14+$0x0], $0xffff  }
0x346: {  	v5 =	vld.idx.msk [tilespmem:v5+s14+$0x0], $0xffff  }
0x347: {  	v17 =	vld [tilespmem:s21+$0x2090]  }
0x348: {  	v58 =	vld [tilespmem:s21+$0xA0]  }
0x349: {  	v18 =	vld [tilespmem:s21+$0x2030]  }
0x34a: {  	v59 =	vld [tilespmem:s21+$0x2040]  }
0x34b: {  	v6 =	vld.idx.msk [tilespmem:v6+s14+$0x0], $0xffff;
	v4 =	vmul.f32 v5, v4  }
0x34c: {  	v7 =	vld.idx.msk [tilespmem:v7+s14+$0x0], $0xffff  }
0x34d: {  	[tilespmem:s20+$0x1C780] =	vst.add.f32.msk $0xffff, v4  }
0x34e: {  	v4 =	vld.idx.msk [tilespmem:v9+s14+$0x0], $0xffff  }
0x34f: {  	v9 =	vld.idx.msk [tilespmem:v10+s14+$0x0], $0xffff  }
0x350: {  	v10 =	vld [tilespmem:s20+$0xA0]  }
0x351: {  	v60 =	vld [tilespmem:s21+$0x2050]  }
0x352: {  	v61 =	vld [tilespmem:s21+$0x2060];
	v6 =	vmul.f32 v7, v6  }
0x353: {  	v5 =	vld [tilespmem:s20+$0x2020]  }
0x354: {  	[tilespmem:s20+$0x1C700] =	vst.add.f32.msk $0xffff, v6  }
0x355: {  	v6 =	vld.idx.msk [tilespmem:v8+s14+$0x0], $0xffff;
	v4 =	vmul.f32 v9, v4  }
0x356: {  	v8 =	vld.idx.msk [tilespmem:v11+s14+$0x0], $0xffff  }
0x357: {  	[tilespmem:s20+$0x1C790] =	vst.add.f32.msk $0xffff, v4  }
0x358: {  	v4 =	vld.idx.msk [tilespmem:v10+s14+$0x0], $0xffff  }
0x359: {  	v9 =	vld.idx.msk [tilespmem:v13+s14+$0x0], $0xffff  }
0x35a: {  	v10 =	vld [tilespmem:s20+$0xB0]  }
0x35b: {  	v11 =	vld [tilespmem:s20+$0x20B0]  }
0x35c: {  	v62 =	vld [tilespmem:s21+$0x20E0];
	v6 =	vmul.f32 v8, v6  }
0x35d: {  	v7 =	vld [tilespmem:s20+$0x2030]  }
0x35e: {  	[tilespmem:s20+$0x1C710] =	vst.add.f32.msk $0xffff, v6  }
0x35f: {  	v6 =	vld.idx.msk [tilespmem:v12+s14+$0x0], $0xffff;
	v4 =	vmul.f32 v9, v4  }
0x360: {  	v5 =	vld.idx.msk [tilespmem:v5+s14+$0x0], $0xffff  }
0x361: {  	[tilespmem:s20+$0x1C7A0] =	vst.add.f32.msk $0xffff, v4  }
0x362: {  	v4 =	vld.idx.msk [tilespmem:v10+s14+$0x0], $0xffff  }
0x363: {  	v9 =	vld.idx.msk [tilespmem:v11+s14+$0x0], $0xffff  }
0x364: {  	v10 =	vld [tilespmem:s20+$0xC0]  }
0x365: {  	v11 =	vld [tilespmem:s20+$0x20C0]  }
0x366: {  	v8 =	vld [tilespmem:s20+$0x2040];
	v5 =	vmul.f32 v5, v6  }
0x367: {  	v13 =	vld [tilespmem:s20+$0x40]  }
0x368: {  	[tilespmem:s20+$0x1C720] =	vst.add.f32.msk $0xffff, v5  }
0x369: {  	v5 =	vld.idx.msk [tilespmem:v14+s14+$0x0], $0xffff;
	v4 =	vmul.f32 v9, v4  }
0x36a: {  	v7 =	vld.idx.msk [tilespmem:v7+s14+$0x0], $0xffff  }
0x36b: {  	[tilespmem:s20+$0x1C7B0] =	vst.add.f32.msk $0xffff, v4  }
0x36c: {  	v4 =	vld.idx.msk [tilespmem:v10+s14+$0x0], $0xffff  }
0x36d: {  	v9 =	vld.idx.msk [tilespmem:v11+s14+$0x0], $0xffff  }
0x36e: {  	v10 =	vld [tilespmem:s20+$0xD0]  }
0x36f: {  	v11 =	vld [tilespmem:s20+$0x20D0]  }
0x370: {  	v12 =	vld [tilespmem:s20+$0x50];
	v5 =	vmul.f32 v7, v5  }
0x371: {  	v6 =	vld [tilespmem:s20+$0x2050]  }
0x372: {  	[tilespmem:s20+$0x1C730] =	vst.add.f32.msk $0xffff, v5  }
0x373: {  	v5 =	vld.idx.msk [tilespmem:v13+s14+$0x0], $0xffff;
	v4 =	vmul.f32 v9, v4  }
0x374: {  	v8 =	vld.idx.msk [tilespmem:v8+s14+$0x0], $0xffff  }
0x375: {  	[tilespmem:s20+$0x1C7C0] =	vst.add.f32.msk $0xffff, v4  }
0x376: {  	v4 =	vld.idx.msk [tilespmem:v10+s14+$0x0], $0xffff  }
0x377: {  	v9 =	vld.idx.msk [tilespmem:v11+s14+$0x0], $0xffff  }
0x378: {  	v10 =	vld [tilespmem:s20+$0xE0]  }
0x379: {  	v5 =	vmul.f32 v8, v5;
	v11 =	vld [tilespmem:s20+$0x20E0]  }
0x37a: {  	v63 =	vld [tilespmem:s21+$0xF0]  }
0x37b: {  	[tilespmem:s20+$0x1C740] =	vst.add.f32.msk $0xffff, v5  }
0x37c: {  	v5 =	vld.idx.msk [tilespmem:v12+s14+$0x0], $0xffff  }
0x37d: {  	v6 =	vld.idx.msk [tilespmem:v6+s14+$0x0], $0xffff;
	v4 =	vmul.f32 v9, v4  }
0x37e: {  	v9 =	vld [tilespmem:s20+$0xF0]  }
0x37f: {  	[tilespmem:s20+$0x1C7D0] =	vst.add.f32.msk $0xffff, v4  }
0x380: {  	v4 =	vld.idx.msk [tilespmem:v10+s14+$0x0], $0xffff  }
0x381: {  	v8 =	vld.idx.msk [tilespmem:v11+s14+$0x0], $0xffff  }
0x382: {  	v5 =	vmul.f32 v6, v5;
	v6 =	vld [tilespmem:s20+$0x20F0]  }
0x383: {  	v14 =	vld [tilespmem:s20+$0x60]  }
0x384: {  	[tilespmem:s20+$0x1C750] =	vst.add.f32.msk $0xffff, v5  }
0x385: {  	v5 =	vld [tilespmem:s21+$0x80]  }
0x386: {  	v4 =	vmul.f32 v8, v4;
	v8 =	vld [tilespmem:s21+$0x2080]  }
0x387: {  	v7 =	vld [tilespmem:s20+$0x2060]  }
0x388: {  	[tilespmem:s20+$0x1C7E0] =	vst.add.f32.msk $0xffff, v4  }
0x389: {  	v4 =	vld.idx.msk [tilespmem:v9+s14+$0x0], $0xffff  }
0x38a: {  	v6 =	vld.idx.msk [tilespmem:v6+s14+$0x0], $0xffff  }
0x38b: {  	v9 =	vld [tilespmem:s21+$0x0]  }
0x38c: {  	v11 =	vld [tilespmem:s21+$0x2000]  }
0x38d: {  	v5 =	vld.idx.msk [tilespmem:v5+s14+$0x0], $0xffff  }
0x38e: {  	v8 =	vld.idx.msk [tilespmem:v8+s14+$0x0], $0xffff  }
0x38f: {  	v4 =	vmul.f32 v6, v4;
	v6 =	vld [tilespmem:s21+$0x90]  }
0x390: {  	v12 =	vld [tilespmem:s21+$0x10]  }
0x391: {  	v10 =	vld.idx.msk [tilespmem:v14+s14+$0x0], $0xffff  }
0x392: {  	[tilespmem:s20+$0x1C7F0] =	vst.add.f32.msk $0xffff, v4  }
0x393: {  	v4 =	vld.idx.msk [tilespmem:v9+s14+$0x0], $0xffff  }
0x394: {  	v9 =	vld.idx.msk [tilespmem:v11+s14+$0x0], $0xffff;
	v5 =	vmul.f32 v8, v5  }
0x395: {  	v14 =	vld [tilespmem:s21+$0x2010]  }
0x396: {  	[tilespmem:s21+$0x1C780] =	vst.add.f32.msk $0xffff, v5  }
0x397: {  	v5 =	vld.idx.msk [tilespmem:v6+s14+$0x0], $0xffff  }
0x398: {  	v6 =	vld.idx.msk [tilespmem:v17+s14+$0x0], $0xffff  }
0x399: {  	v4 =	vmul.f32 v9, v4;
	v9 =	vld [tilespmem:s21+$0x20A0]  }
0x39a: {  	v11 =	vld [tilespmem:s21+$0x2020]  }
0x39b: {  	[tilespmem:s21+$0x1C700] =	vst.add.f32.msk $0xffff, v4  }
0x39c: {  	v4 =	vld.idx.msk [tilespmem:v12+s14+$0x0], $0xffff  }
0x39d: {  	v12 =	vld.idx.msk [tilespmem:v14+s14+$0x0], $0xffff;
	v5 =	vmul.f32 v6, v5  }
0x39e: {  	v14 =	vld [tilespmem:s21+$0xB0]  }
0x39f: {  	[tilespmem:s21+$0x1C790] =	vst.add.f32.msk $0xffff, v5  }
0x3a0: {  	v5 =	vld.idx.msk [tilespmem:v58+s14+$0x0], $0xffff  }
0x3a1: {  	v9 =	vld.idx.msk [tilespmem:v9+s14+$0x0], $0xffff  }
0x3a2: {  	v4 =	vmul.f32 v12, v4;
	v12 =	vld [tilespmem:s21+$0x20B0]  }
0x3a3: {  	v13 =	vld [tilespmem:s20+$0x70]  }
0x3a4: {  	v8 =	vld [tilespmem:s21+$0x30]  }
0x3a5: {  	[tilespmem:s21+$0x1C710] =	vst.add.f32.msk $0xffff, v4  }
0x3a6: {  	v4 =	vld.idx.msk [tilespmem:v16+s14+$0x0], $0xffff;
	v5 =	vmul.f32 v9, v5  }
0x3a7: {  	v11 =	vld.idx.msk [tilespmem:v11+s14+$0x0], $0xffff  }
0x3a8: {  	[tilespmem:s21+$0x1C7A0] =	vst.add.f32.msk $0xffff, v5  }
0x3a9: {  	v5 =	vld.idx.msk [tilespmem:v14+s14+$0x0], $0xffff  }
0x3aa: {  	v12 =	vld.idx.msk [tilespmem:v12+s14+$0x0], $0xffff  }
0x3ab: {  	v14 =	vld [tilespmem:s21+$0xC0]  }
0x3ac: {  	v4 =	vmul.f32 v11, v4;
	v11 =	vld [tilespmem:s21+$0x20C0]  }
0x3ad: {  	v7 =	vld.idx.msk [tilespmem:v7+s14+$0x0], $0xffff  }
0x3ae: {  	v6 =	vld [tilespmem:s21+$0x40]  }
0x3af: {  	[tilespmem:s21+$0x1C720] =	vst.add.f32.msk $0xffff, v4  }
0x3b0: {  	v4 =	vld.idx.msk [tilespmem:v8+s14+$0x0], $0xffff;
	v5 =	vmul.f32 v12, v5  }
0x3b1: {  	v8 =	vld.idx.msk [tilespmem:v18+s14+$0x0], $0xffff  }
0x3b2: {  	[tilespmem:s21+$0x1C7B0] =	vst.add.f32.msk $0xffff, v5  }
0x3b3: {  	v5 =	vld.idx.msk [tilespmem:v14+s14+$0x0], $0xffff  }
0x3b4: {  	v11 =	vld.idx.msk [tilespmem:v11+s14+$0x0], $0xffff  }
0x3b5: {  	v14 =	vld [tilespmem:s21+$0xD0]  }
0x3b6: {  	v4 =	vmul.f32 v8, v4;
	v8 =	vld [tilespmem:s21+$0x20D0]  }
0x3b7: {  	v9 =	vld [tilespmem:s21+$0x50]  }
0x3b8: {  	v12 =	vld [tilespmem:s21+$0x60]  }
0x3b9: {  	[tilespmem:s21+$0x1C730] =	vst.add.f32.msk $0xffff, v4  }
0x3ba: {  	v6 =	vld.idx.msk [tilespmem:v6+s14+$0x0], $0xffff;
	v5 =	vmul.f32 v11, v5  }
0x3bb: {  	v17 =	vld.idx.msk [tilespmem:v59+s14+$0x0], $0xffff  }
0x3bc: {  	[tilespmem:s21+$0x1C7C0] =	vst.add.f32.msk $0xffff, v5  }
0x3bd: {  	v11 =	vld.idx.msk [tilespmem:v14+s14+$0x0], $0xffff  }
0x3be: {  	v8 =	vld.idx.msk [tilespmem:v8+s14+$0x0], $0xffff  }
0x3bf: {  	v14 =	vld [tilespmem:s21+$0xE0]  }
0x3c0: {  	v4 =	vld [tilespmem:s21+$0x70];
	v6 =	vmul.f32 v17, v6  }
0x3c1: {  	v5 =	vld [tilespmem:s21+$0x2070]  }
0x3c2: {  	[tilespmem:s21+$0x1C740] =	vst.add.f32.msk $0xffff, v6  }
0x3c3: {  	v6 =	vmul.f32 v7, v10;
	v7 =	vld.idx.msk [tilespmem:v9+s14+$0x0], $0xffff  }
0x3c4: {  	v9 =	vld.idx.msk [tilespmem:v60+s14+$0x0], $0xffff;
	v8 =	vmul.f32 v8, v11  }
0x3c5: {  	[tilespmem:s20+$0x1C760] =	vst.add.f32.msk $0xffff, v6  }
0x3c6: {  	[tilespmem:s21+$0x1C7D0] =	vst.add.f32.msk $0xffff, v8  }
0x3c7: {  	v6 =	vld.idx.msk [tilespmem:v14+s14+$0x0], $0xffff  }
0x3c8: {  	v14 =	vld.idx.msk [tilespmem:v62+s14+$0x0], $0xffff  }
0x3c9: {  	v9 =	vmul.f32 v9, v7;
	v7 =	vld [tilespmem:s21+$0x20F0]  }
0x3ca: {  	v8 =	vld.idx.msk [tilespmem:v13+s14+$0x0], $0xffff  }
0x3cb: {  	[tilespmem:s21+$0x1C750] =	vst.add.f32.msk $0xffff, v9  }
0x3cc: {  	v10 =	vld.idx.msk [tilespmem:v12+s14+$0x0], $0xffff  }
0x3cd: {  	v11 =	vld.idx.msk [tilespmem:v61+s14+$0x0], $0xffff;
	v6 =	vmul.f32 v14, v6  }
0x3ce: {  	v9 =	vld.idx.msk [tilespmem:v15+s14+$0x0], $0xffff  }
0x3cf: {  	[tilespmem:s21+$0x1C7E0] =	vst.add.f32.msk $0xffff, v6  }
0x3d0: {  	s22 =	simm.s32 $0x2;
	s23 =	simm.s32 $0x800;
	v12 =	vld.idx.msk [tilespmem:v63+s14+$0x0], $0xffff  }
.LBB2_8:
0x3d1: {  	s24 =	sshra.s32 s23, $0x2;
	v13 =	vld.idx.msk [tilespmem:v7+s14+$0x0], $0xffff  }
0x3d2: {  	v7 =	vmul.f32 v11, v10;
	v14 =	vld [tilespmem:s24+$0x80]  }
0x3d3: {  	v6 =	vmul.f32 v9, v8;
	v10 =	vld [tilespmem:s24+$0x2080]  }
0x3d4: {  	v8 =	vld [tilespmem:s24+$0x0]  }
0x3d5: {  	v9 =	vld [tilespmem:s24+$0x2000]  }
0x3d6: {  	v11 =	vld [tilespmem:s24+$0x10]  }
0x3d7: {  	v12 =	vmul.f32 v13, v12;
	v15 =	vld [tilespmem:s24+$0x2010]  }
0x3d8: {  	v13 =	vld [tilespmem:s24+$0x20]  }
0x3d9: {  	s22 =	sadd.s32 $0x2, s22;
	[tilespmem:s21+$0x1C7F0] =	vst.add.f32.msk $0xffff, v12  }
0x3da: {  	p1 =	slt.u32 s22, $0x3E;
	v12 =	vld.idx.msk [tilespmem:v14+s14+$0x0], $0xffff  }
0x3db: {  	v10 =	vld.idx.msk [tilespmem:v10+s14+$0x0], $0xffff  }
0x3dc: {  	v14 =	vld [tilespmem:s24+$0x90]  }
0x3dd: {  	v16 =	vld [tilespmem:s24+$0x2090]  }
0x3de: {  	v8 =	vld.idx.msk [tilespmem:v8+s14+$0x0], $0xffff  }
0x3df: {  	v9 =	vld.idx.msk [tilespmem:v9+s14+$0x0], $0xffff  }
0x3e0: {  	v17 =	vld [tilespmem:s24+$0x2020]  }
0x3e1: {  	v10 =	vmul.f32 v10, v12;
	v18 =	vld [tilespmem:s24+$0x30]  }
0x3e2: {  	v12 =	vld [tilespmem:s24+$0x2030]  }
0x3e3: {  	[tilespmem:s24+$0x1C780] =	vst.add.f32.msk $0xffff, v10  }
0x3e4: {  	v10 =	vld.idx.msk [tilespmem:v14+s14+$0x0], $0xffff  }
0x3e5: {  	v8 =	vmul.f32 v9, v8;
	v9 =	vld.idx.msk [tilespmem:v16+s14+$0x0], $0xffff  }
0x3e6: {  	v14 =	vld [tilespmem:s24+$0xA0]  }
0x3e7: {  	v16 =	vld [tilespmem:s24+$0x20A0]  }
0x3e8: {  	[tilespmem:s24+$0x1C700] =	vst.add.f32.msk $0xffff, v8  }
0x3e9: {  	v8 =	vld.idx.msk [tilespmem:v11+s14+$0x0], $0xffff  }
0x3ea: {  	v11 =	vld.idx.msk [tilespmem:v15+s14+$0x0], $0xffff  }
0x3eb: {  	v9 =	vmul.f32 v9, v10;
	v15 =	vld [tilespmem:s24+$0x40]  }
0x3ec: {  	v10 =	vld [tilespmem:s24+$0x2040]  }
0x3ed: {  	[tilespmem:s24+$0x1C790] =	vst.add.f32.msk $0xffff, v9  }
0x3ee: {  	v9 =	vld.idx.msk [tilespmem:v14+s14+$0x0], $0xffff  }
0x3ef: {  	v14 =	vld.idx.msk [tilespmem:v16+s14+$0x0], $0xffff  }
0x3f0: {  	v8 =	vmul.f32 v11, v8;
	v11 =	vld [tilespmem:s24+$0xB0]  }
0x3f1: {  	v16 =	vld [tilespmem:s24+$0x20B0]  }
0x3f2: {  	[tilespmem:s24+$0x1C710] =	vst.add.f32.msk $0xffff, v8  }
0x3f3: {  	v8 =	vld.idx.msk [tilespmem:v13+s14+$0x0], $0xffff  }
0x3f4: {  	v13 =	vld.idx.msk [tilespmem:v17+s14+$0x0], $0xffff  }
0x3f5: {  	v9 =	vmul.f32 v14, v9;
	v17 =	vld [tilespmem:s24+$0x50]  }
0x3f6: {  	v14 =	vld [tilespmem:s24+$0x2050]  }
0x3f7: {  	[tilespmem:s24+$0x1C7A0] =	vst.add.f32.msk $0xffff, v9  }
0x3f8: {  	v9 =	vld.idx.msk [tilespmem:v11+s14+$0x0], $0xffff  }
0x3f9: {  	v11 =	vld.idx.msk [tilespmem:v16+s14+$0x0], $0xffff  }
0x3fa: {  	v8 =	vmul.f32 v13, v8;
	v13 =	vld [tilespmem:s24+$0xC0]  }
0x3fb: {  	v16 =	vld [tilespmem:s24+$0x20C0]  }
0x3fc: {  	[tilespmem:s24+$0x1C720] =	vst.add.f32.msk $0xffff, v8  }
0x3fd: {  	v8 =	vld.idx.msk [tilespmem:v18+s14+$0x0], $0xffff  }
0x3fe: {  	v12 =	vld.idx.msk [tilespmem:v12+s14+$0x0], $0xffff  }
0x3ff: {  	v9 =	vmul.f32 v11, v9;
	v18 =	vld [tilespmem:s24+$0x60]  }
0x400: {  	v11 =	vld [tilespmem:s24+$0x2060]  }
0x401: {  	[tilespmem:s24+$0x1C7B0] =	vst.add.f32.msk $0xffff, v9  }
0x402: {  	v9 =	vld.idx.msk [tilespmem:v13+s14+$0x0], $0xffff  }
0x403: {  	v13 =	vld.idx.msk [tilespmem:v16+s14+$0x0], $0xffff  }
0x404: {  	v8 =	vmul.f32 v12, v8;
	v12 =	vld [tilespmem:s24+$0xD0]  }
0x405: {  	v16 =	vld [tilespmem:s24+$0x20D0]  }
0x406: {  	[tilespmem:s24+$0x1C730] =	vst.add.f32.msk $0xffff, v8  }
0x407: {  	v8 =	vld.idx.msk [tilespmem:v15+s14+$0x0], $0xffff  }
0x408: {  	v10 =	vld.idx.msk [tilespmem:v10+s14+$0x0], $0xffff  }
0x409: {  	v9 =	vmul.f32 v13, v9;
	v15 =	vld [tilespmem:s24+$0x70]  }
0x40a: {  	v13 =	vld [tilespmem:s24+$0x2070]  }
0x40b: {  	[tilespmem:s24+$0x1C7C0] =	vst.add.f32.msk $0xffff, v9  }
0x40c: {  	v9 =	vld.idx.msk [tilespmem:v12+s14+$0x0], $0xffff  }
0x40d: {  	v12 =	vld.idx.msk [tilespmem:v16+s14+$0x0], $0xffff  }
0x40e: {  	v8 =	vmul.f32 v10, v8;
	v10 =	vld [tilespmem:s24+$0xE0]  }
0x40f: {  	v16 =	vld [tilespmem:s24+$0x20E0]  }
0x410: {  	[tilespmem:s24+$0x1C740] =	vst.add.f32.msk $0xffff, v8  }
0x411: {  	v17 =	vld.idx.msk [tilespmem:v17+s14+$0x0], $0xffff  }
0x412: {  	v14 =	vld.idx.msk [tilespmem:v14+s14+$0x0], $0xffff  }
0x413: {  	v9 =	vmul.f32 v12, v9;
	[tilespmem:s21+$0x1C760] =	vst.add.f32.msk $0xffff, v7  }
0x414: {  	v8 =	vld.idx.msk [tilespmem:v4+s14+$0x0], $0xffff;
	v4 =	vmov v15  }
0x415: {  	[tilespmem:s24+$0x1C7D0] =	vst.add.f32.msk $0xffff, v9  }
0x416: {  	v9 =	vld.idx.msk [tilespmem:v10+s14+$0x0], $0xffff  }
0x417: {  	v12 =	vld.idx.msk [tilespmem:v16+s14+$0x0], $0xffff  }
0x418: {  	v10 =	vmul.f32 v14, v17;
	v14 =	vld [tilespmem:s24+$0xF0]  }
0x419: {  	v7 =	vld [tilespmem:s24+$0x20F0]  }
0x41a: {  	[tilespmem:s24+$0x1C750] =	vst.add.f32.msk $0xffff, v10  }
0x41b: {  	v10 =	vld.idx.msk [tilespmem:v18+s14+$0x0], $0xffff  }
.Ltmp3:
0x41c: {  	v11 =	vld.idx.msk [tilespmem:v11+s14+$0x0], $0xffff;
	(pc) =	sbr.rel @p1 .LBB2_8-.Ltmp3, $4  }
0x41d: {  	v12 =	vmul.f32 v12, v9;
	v9 =	vld.idx.msk [tilespmem:v5+s14+$0x0], $0xffff;
	v5 =	vmov v13  }
0x41e: {  	[tilespmem:s20+$0x1C770] =	vst.add.f32.msk $0xffff, v6;
	s20 =	smov.u32 s21;
	s21 =	smov.u32 s24  }
0x41f: {  	[tilespmem:s21+$0x1C7E0] =	vst.add.f32.msk $0xffff, v12  }
0x420: {  	s23 =	sadd.s32 $0x400, s23;
	v12 =	vld.idx.msk [tilespmem:v14+s14+$0x0], $0xffff  }
0x421: {  	_ =	sdelay $0x2  }
0x422: {  	v6 =	vmul.f32 v11, v10  }
0x423: {  	v7 =	vld.idx.msk [tilespmem:v7+s14+$0x0], $0xffff  }
0x424: {  	[tilespmem:s21+$0x1C760] =	vst.add.f32.msk $0xffff, v6  }
0x425: {  	v4 =	vld.idx.msk [tilespmem:v4+s14+$0x0], $0xffff  }
0x426: {  	v5 =	vld.idx.msk [tilespmem:v5+s14+$0x0], $0xffff;
	_ =	sdelay $0x2  }
0x427: {  	v63 =	vmul.f32 v9, v8  }
0x428: {  	v62 =	vmul.f32 v7, v12  }
0x429: {  	[tilespmem:s20+$0x1C770] =	vst.add.f32.msk $0xffff, v63;
	v4 =	vmul.f32 v5, v4  }
0x42a: {  	[tilespmem:s21+$0x1C7F0] =	vst.add.f32.msk $0xffff, v62  }
0x42b: {  	s22 =	simm.s32 @p0 $0x1C700;
	[tilespmem:s21+$0x1C770] =	vst.add.f32.msk $0xffff, v4  }
0x42c: {  	s20 =	simm.s32 @p0 $0x40;
	s21 =	simm.s32 @p0 $0x1E700;
	[bflag:$0x0] =	sbarrier.arrive @p0 $0xFFFF  }
0x42d: {  	[spmem:s1] =	stream.indirect.scatter.add.f32 @p0 [tilespmem:s22], [sflag:$0x1], $0x80, s21, s20, $0xb8;
	[tilespmem:$0x1E980] =	vst v63  }
0x42e: {  	s20 =	simm.s32 @p0 $0x1  }
0x42f: {  	_ =	swait.ge @p0 [sflag:s20], $0x2000  }
0x430: {  	[sflag:s20] =	ssyncset.done @p0 $0x0  }
0x431: {  	[sflag:s20] =	ssyncadd.s32 @p0 $0xFFFFE000;
	s20 =	simm.s32 @!p0 $0x1C700  }
0x432: {  	[spmem:s1] =	stream.linear.scatter @!p0 [tilespmem:s20], [sflag:$0x2], $0x2000, $0x38;
	[tilespmem:$0x1E980] =	vst v63  }
0x433: {  	s20 =	simm.s32 @!p0 $0x2  }
0x434: {  	_ =	swait.ge @!p0 [sflag:s20], $0x2000  }
0x435: {  	[sflag:s20] =	ssyncset.done @!p0 $0x0  }
0x436: {  	s19 =	sadd.s32 $0x1, s19;
	[sflag:s20] =	ssyncadd.s32 @!p0 $0xFFFFE000  }
0x437: {  	p1 =	sne.s32 s19, s11;
	[bflag:$0x0] =	sbarrier.arrive @!p0 $0xFFFF  }
.Ltmp4:
0x438: {  	s31 =	sor.u32 $0x1C02, s8;
	[bflag:$0x0] =	sbarrier.arrive $0xFFFF;
	(pc) =	sbr.rel @p1 .LBB2_1-.Ltmp4, $4  }
0x439: {  	[hbm:s10], [sflag:s31] =	dma.local [spmem:s18], $0x40  }
0x43a: {  	_ =	swait.ge [sflag:s17], $0x40  }
0x43b: {  	[sflag:s17] =	ssyncset.done $0x0  }
0x43c: {  	[sflag:s17] =	ssyncadd.s32 $0xFFFFFFC0  }
0x43d: {  	_ =	sfence.sel $0x180000  }
0x43e: {  	[bflag:$0x0] =	sbarrier.arrive $0xFFFF  }
0x43f: {  	_ =	strace $0x90000047  }
0x440: {  	s0 =	sadd.s32 @!p0 $0x100000, s0;
	[bflag:$0x2] =	sbarrier.arrive $0xFFFF  }
0x441: {  	[sflag:s0] =	ssyncadd.tile.s32 @!p0 $0x1;
	_ =	shalt  }
.Lfunc_end2:
_tile_overlayer_lowered:
.L_overlay_start_2:
0x442: {  	(tag) =	ssettag $0x2  }
0x443: {  	s0 =	rddreg [dreg:$0x0];
	s2 =	stileid.u32  }
0x444: {  	s1 =	rddreg [dreg:$0x1];
	p0 =	sne.s32 s2, $0x0  }
0x445: {  	s3 =	rddreg [dreg:$0x2];
	[bflag:$0x3] =	sbarrier.arrive $0xFFFF;
	s2 =	simm.s32 @!p0 $0x1C02  }
0x446: {  	[timem:s3], [sflag:s2] =	dma.local @!p0 [hbm:s0], s1  }
0x447: {  	s0 =	simm.s32 @!p0 $0x2  }
0x448: {  	_ =	swait.ge @!p0 [sflag:s0], s1  }
0x449: {  	s1 =	ssub.s32 @!p0 $0x0, s1;
	[sflag:s0] =	ssyncset.done @!p0 $0x0  }
0x44a: {  	[sflag:s0] =	ssyncadd.s32 @!p0 s1  }
0x44b: {  	[bflag:$0x3] =	sbarrier.arrive $0xFFFF  }
0x44c: {  	_ =	shalt  }

</sc_bundles>
